<compile_context>
chip_gen: v7x
topology: tpu7x:2x2x1
jax: 0.10.2.dev20260603
libtpu: 0.0.44.dev20260713+nightly
codegen_flags: <defaults>
</compile_context>

<pallas_src>
import functools

import jax
import jax.numpy as jnp
import numpy as np
from jax import lax
from jax.experimental import pallas as pl
from jax.experimental.pallas import tpu as pltpu
from jax.experimental.pallas import tpu_sc as plsc

N_ATOMS = 1024
CAP = 32
LANES = 16
N_CHUNKS = N_ATOMS // LANES
NC = 2
NS = 16
NW = NC * NS
ROWS_PER_W = N_ATOMS // NW
BIG_INIT = np.float32(3.0e38)
CUT2 = np.float32(225.0)
BIG2 = np.float32(900.0)


def _full16(val, dtype=jnp.int32):
    return jnp.full((LANES,), val, dtype)


def _merge_topk(t0k, t0v, t1k, t1v, ck, cv):
    ck, cv = plsc.sort_key_val(ck, cv)
    rk = lax.rev(ck, (0,))
    rv = lax.rev(cv, (0,))
    sel = t1k <= rk
    lk = jnp.where(sel, t1k, rk)
    lv = jnp.where(sel, t1v, rv)
    lk, lv = plsc.sort_key_val(lk, lv)
    rlk = lax.rev(lk, (0,))
    rlv = lax.rev(lv, (0,))
    sel2 = t0k <= rlk
    ak = jnp.where(sel2, t0k, rlk)
    av = jnp.where(sel2, t0v, rlv)
    bk = jnp.where(sel2, rlk, t0k)
    bv = jnp.where(sel2, rlv, t0v)
    t0k, t0v = plsc.sort_key_val(ak, av)
    t1k, t1v = plsc.sort_key_val(bk, bv)
    return t0k, t0v, t1k, t1v


def _sc_kshell(xs, ls):
    mesh = plsc.VectorSubcoreMesh(core_axis_name="c", subcore_axis_name="s")

    @functools.partial(
        pl.kernel,
        out_type=[
            jax.ShapeDtypeStruct((N_ATOMS * CAP,), jnp.float32),
            jax.ShapeDtypeStruct((N_ATOMS * CAP,), jnp.int32),
            jax.ShapeDtypeStruct((NW * 3 * ROWS_PER_W * CAP,), jnp.float32),
        ],
        scratch_types=[
            pltpu.VMEM((3 * N_ATOMS,), jnp.float32),
            pltpu.VMEM((48,), jnp.float32),
            pltpu.VMEM((184,), jnp.float32),
            pltpu.VMEM((184,), jnp.int32),
            pltpu.VMEM((ROWS_PER_W * CAP,), jnp.float32),
            pltpu.VMEM((ROWS_PER_W * CAP,), jnp.int32),
            pltpu.VMEM((3 * ROWS_PER_W * CAP,), jnp.float32),
        ],
        mesh=mesh,
        compiler_params=pltpu.CompilerParams(needs_layout_passes=False),
    )
    def kfn(xs_hbm, ls_hbm, sq_hbm, j_hbm, v_hbm, xs_v, ls_v, kb_v, jb_v,
            ks_v, js_v, vs_v):
        wid = lax.axis_index("s") * NC + lax.axis_index("c")
        row0 = wid * ROWS_PER_W
        pltpu.sync_copy(xs_hbm, xs_v)
        pltpu.sync_copy(ls_hbm, ls_v)
        lv = [ls_v[pl.ds(16 * a, LANES)] for a in range(3)]

        def do_row(r, _):
            gi = row0 + r
            gi_idx = _full16(gi)
            xi = [
                plsc.load_gather(xs_v, [gi_idx + a * N_ATOMS])
                for a in range(3)
            ]

            def consolidate(ops):
                t0k, t0v, t1k, t1v, cur = ops
                curv = jnp.full((LANES,), cur, jnp.int32)
                trip = (cur + 15) // 16

                def cbody(cc, tc):
                    c0k, c0v, c1k, c1v = tc
                    off = cc * 16
                    bk = kb_v[pl.ds(off, LANES)]
                    bv = jb_v[pl.ds(off, LANES)]
                    lane = lax.iota(jnp.int32, LANES) + off
                    bk = jnp.where(lane < curv, bk, BIG_INIT)
                    return _merge_topk(c0k, c0v, c1k, c1v, bk, bv)

                t0k, t0v, t1k, t1v = lax.fori_loop(
                    0, trip, cbody, (t0k, t0v, t1k, t1v))
                return t0k, t0v, t1k, t1v, jnp.max(t1k), 0

            def do_group(g, carry):
                t0k, t0v, t1k, t1v, thr, cur = carry
                gbase = g * (8 * LANES)
                for u in range(8):
                    base = gbase + u * LANES
                    sq = None
                    for a in range(3):
                        x0 = xs_v[pl.ds(a * N_ATOMS + base, LANES)]
                        t0 = x0 - xi[a]
                        lsel = jnp.where(t0 > 0.0, -lv[a], lv[a])
                        ts = (x0 + lsel) - xi[a]
                        q = jnp.minimum(t0 * t0, ts * ts)
                        sq = q if sq is None else sq + q
                    jv = lax.iota(jnp.int32, LANES) + base
                    key = jnp.where(sq > CUT2, BIG2, sq)
                    key = jnp.where(jv == gi, BIG2, key)
                    pm = key < thr
                    plsc.store_compressed(
                        kb_v.at[pl.ds(cur, LANES)], key, mask=pm)
                    plsc.store_compressed(
                        jb_v.at[pl.ds(cur, LANES)], jv, mask=pm)
                    cnt = plsc.all_reduce_population_count(pm)
                    cur = cur + cnt[0]

                def kept(ops):
                    a0k, a0v, a1k, a1v, c = ops
                    return a0k, a0v, a1k, a1v, thr, c

                return lax.cond(
                    cur >= 48, consolidate, kept,
                    (t0k, t0v, t1k, t1v, cur),
                )

            init = (
                jnp.full((LANES,), BIG_INIT, jnp.float32),
                jnp.zeros((LANES,), jnp.int32),
                jnp.full((LANES,), BIG_INIT, jnp.float32),
                jnp.zeros((LANES,), jnp.int32),
                BIG_INIT,
                0,
            )
            carry = lax.fori_loop(0, N_CHUNKS // 8, do_group, init)
            t0k, t0v, t1k, t1v, _, _ = consolidate(
                (carry[0], carry[1], carry[2], carry[3], carry[5]))

            ks_v[pl.ds(r * CAP, LANES)] = t0k
            ks_v[pl.ds(r * CAP + LANES, LANES)] = t1k
            js_v[pl.ds(r * CAP, LANES)] = t0v
            js_v[pl.ds(r * CAP + LANES, LANES)] = t1v
            for h, jsel in ((0, t0v), (1, t1v)):
                for a in range(3):
                    g0 = plsc.load_gather(xs_v, [jsel + a * N_ATOMS])
                    t0 = g0 - xi[a]
                    tp = (g0 + lv[a]) - xi[a]
                    tm = (g0 - lv[a]) - xi[a]
                    q0 = t0 * t0
                    qp = tp * tp
                    qm = tm * tm
                    b = jnp.where(qp < q0, tp, t0)
                    qb = jnp.where(qp < q0, qp, q0)
                    b = jnp.where(qm < qb, tm, b)
                    vs_v[pl.ds(a * (ROWS_PER_W * CAP) + r * CAP + h * LANES,
                               LANES)] = b
            return 0

        lax.fori_loop(0, ROWS_PER_W, do_row, 0)
        pltpu.sync_copy(ks_v, sq_hbm.at[pl.ds(row0 * CAP, ROWS_PER_W * CAP)])
        pltpu.sync_copy(js_v, j_hbm.at[pl.ds(row0 * CAP, ROWS_PER_W * CAP)])
        pltpu.sync_copy(
            vs_v, v_hbm.at[pl.ds(wid * 3 * ROWS_PER_W * CAP,
                                 3 * ROWS_PER_W * CAP)])

    return kfn(xs, ls)


def _tc_post(sq, jidx, v0, v1, v2):

    def body(sq_r, j_r, v0_r, v1_r, v2_r, j_o, e_o, r0_o, r1_o, r2_o):
        d = jnp.sqrt(sq_r[...] + 1e-12)
        j = j_r[...]
        vs = [v0_r[...], v1_r[...], v2_r[...]]
        col = lax.broadcasted_iota(jnp.int32, d.shape, 1)

        def shl(x):
            return jnp.concatenate([x[:, 1:], x[:, :1]], axis=1)

        def shr(x):
            return jnp.concatenate([x[:, :1], x[:, :-1]], axis=1)

        for p in range(4):
            dn = shl(d)
            jl = shl(j)
            dp = shr(d)
            jr = shr(j)
            eq = (d == dn) & (j > jl) & (col % 2 == (p % 2)) & (col < CAP - 1)
            eqr = (dp == d) & (jr > j) & ((col + 1) % 2 == (p % 2)) & (col >= 1)
            j = jnp.where(eq, jl, jnp.where(eqr, jr, j))
            vs = [
                jnp.where(eq, shl(v), jnp.where(eqr, shr(v), v)) for v in vs
            ]
        dk = jnp.broadcast_to(d[:, 11:12], d.shape)
        mask = (d <= dk * (1.0 + 1e-6)) & (d < 15.0)
        j_o[...] = j
        e_o[...] = jnp.where(mask, d, 0.0)
        r0_o[...] = jnp.where(mask, vs[0], 0.0)
        r1_o[...] = jnp.where(mask, vs[1], 0.0)
        r2_o[...] = jnp.where(mask, vs[2], 0.0)

    return pl.pallas_call(
        body,
        out_shape=[
            jax.ShapeDtypeStruct((N_ATOMS, CAP), jnp.int32),
            jax.ShapeDtypeStruct((N_ATOMS, CAP), jnp.float32),
            jax.ShapeDtypeStruct((N_ATOMS, CAP), jnp.float32),
            jax.ShapeDtypeStruct((N_ATOMS, CAP), jnp.float32),
            jax.ShapeDtypeStruct((N_ATOMS, CAP), jnp.float32),
        ],
    )(sq, jidx, v0, v1, v2)


def kernel(frac, lattice, numbers):
    N = frac.shape[0]
    cart = frac @ lattice
    xs = cart.T.reshape(3 * N)
    ls = jnp.repeat(jnp.diagonal(lattice), LANES)

    sq_flat, j_flat, v_flat = _sc_kshell(xs, ls)

    sq = sq_flat.reshape(N, CAP)
    jidx = j_flat.reshape(N, CAP)
    v = v_flat.reshape(NW, 3, ROWS_PER_W, CAP)
    v0 = v[:, 0].reshape(N, CAP)
    v1 = v[:, 1].reshape(N, CAP)
    v2 = v[:, 2].reshape(N, CAP)

    dst, edge_d, r0, r1, r2 = _tc_post(sq, jidx, v0, v1, v2)

    mask = edge_d > 0.0
    src = jnp.broadcast_to(jnp.arange(N, dtype=dst.dtype)[:, None], (N, CAP))
    r_vec = jnp.stack([r0, r1, r2], axis=-1)
    return src, dst, mask, r_vec, edge_d

# --- scband reference (transcript-rebuilt; emitter-appended) ---
"""Pipeline reference for scband-periodic-kshell-graph-2121713845181 (READ-ONLY COPY).

The authoritative reference and input builder live on the scoring server;
editing this copy changes nothing except your own understanding.
"""

import jax, jax.numpy as jnp
import numpy as np

K = 12
CUTOFF = 15.0
CAPACITY = 32
N_ATOMS = 1024
BOX = 30.0

def setup_inputs(seed: int = 0) -> dict:
    key = jax.random.key(seed)
    k1, k2 = jax.random.split(key)
    frac = jax.random.uniform(k1, (N_ATOMS, 3), dtype=jnp.float32)
    lattice = BOX * jnp.eye(3, dtype=jnp.float32)
    numbers = jax.random.randint(k2, (N_ATOMS,), 1, 95)
    return {"frac": frac, "lattice": lattice, "numbers": numbers}

def reference(frac, lattice, numbers):
    # Periodic k-neighbor shell graph construction (periodic_kshell_graph).
    # Cartesian positions from fractional coords and lattice.
    N = frac.shape[0]
    cart = frac @ lattice  # [N, 3]
    # 3x3x3 periodic image shifts (cutoff 15 <= half box 15 -> +/-1 cells suffice)
    grid = jnp.arange(-1, 2)
    sx, sy, sz = jnp.meshgrid(grid, grid, grid, indexing="ij")
    shifts = jnp.stack([sx.ravel(), sy.ravel(), sz.ravel()], axis=-1).astype(lattice.dtype)  # [27, 3]
    offsets = shifts @ lattice  # [27, 3]
    # displacement r_ij = x_j + offset - x_i  -> [N, N, 27, 3]
    dvec = cart[None, :, None, :] + offsets[None, None, :, :] - cart[:, None, None, :]
    dvec = dvec.reshape(N, N * 27, 3)
    dist = jnp.sqrt(jnp.sum(dvec * dvec, axis=-1) + 1e-12)  # [N, N*27]
    # mask the self pair (i == j with zero image shift; zero shift index is 13)
    cols = jnp.arange(N) * 27 + 13
    self_img = jnp.zeros((N, N * 27), dtype=bool).at[jnp.arange(N), cols].set(True)
    big = jnp.asarray(2.0 * CUTOFF, dist.dtype)
    dist = jnp.where(self_img | (dist > CUTOFF), big, dist)
    # nearest CAPACITY candidates per atom
    order = jnp.argsort(dist, axis=1)[:, :CAPACITY]  # [N, CAPACITY]
    d_sorted = jnp.take_along_axis(dist, order, axis=1)  # [N, CAPACITY]
    v_sorted = jnp.take_along_axis(dvec, order[:, :, None], axis=1)  # [N, CAPACITY, 3]
    # k-th neighbor distance defines the shell radius; include ties
    dk = d_sorted[:, K - 1]
    mask = (d_sorted <= dk[:, None] * (1.0 + 1e-6)) & (d_sorted < CUTOFF)
    src = jnp.broadcast_to(jnp.arange(N)[:, None], (N, CAPACITY))
    dst = order // 27  # destination atom index (image-folded)
    r_vec = jnp.where(mask[:, :, None], v_sorted, 0.0)  # edge displacement features
    edge_d = jnp.where(mask, d_sorted, 0.0)  # edge distances
    return src, dst, mask, r_vec, edge_d

if __name__ == "__main__":
    import jax
    _d = setup_inputs()
    print(jax.jit(kernel)(*tuple(_d.values())))

</pallas_src>

<mosaic_0001>
#map = affine_map<(d0, d1) -> (0)>
module attributes {stable_mosaic.version = 14 : i64} {
  func.func @kfn(%arg0: i32, %arg1: i32, %arg2: memref<3072xf32, #tpu.memory_space<hbm>>, %arg3: memref<48xf32, #tpu.memory_space<hbm>>, %arg4: memref<32768xf32, #tpu.memory_space<hbm>>, %arg5: memref<32768xi32, #tpu.memory_space<hbm>>, %arg6: memref<98304xf32, #tpu.memory_space<hbm>>, %arg7: memref<3072xf32, #tpu.memory_space<vmem>>, %arg8: memref<48xf32, #tpu.memory_space<vmem>>, %arg9: memref<184xf32, #tpu.memory_space<vmem>>, %arg10: memref<184xi32, #tpu.memory_space<vmem>>, %arg11: memref<1024xf32, #tpu.memory_space<vmem>>, %arg12: memref<1024xi32, #tpu.memory_space<vmem>>, %arg13: memref<3072xf32, #tpu.memory_space<vmem>>) attributes {dimension_semantics = [#tpu.dimension_semantics<core_parallel>, #tpu.dimension_semantics<subcore_parallel>], iteration_bounds = array<i64: 2, 16>, scalar_prefetch = 0 : i64, scratch_operands = 7 : i64, tpu.core_type = #tpu.core_type<sc_vector_subcore>, window_params = [{transform_indices = #map}, {transform_indices = #map}, {transform_indices = #map}, {transform_indices = #map}, {transform_indices = #map}]} {
    %mul3A = arith.constant 2 : i32
    %mul3A_0 = arith.muli %arg1, %mul3A : i32
    %add3A = arith.addi %mul3A_0, %arg0 : i32
    %mul3A_1 = arith.constant 32 : i32
    %mul3A_2 = arith.muli %add3A, %mul3A_1 : i32
    "tpu.region"() ({
      %run_scoped3A = tpu.sem_alloc : memref<!tpu.dma_semaphore, #tpu.memory_space<semaphore_mem>>
      tpu.enqueue_dma source(%arg2 : memref<3072xf32, #tpu.memory_space<hbm>>) target(%arg7 : memref<3072xf32, #tpu.memory_space<vmem>>) target_semaphore(%run_scoped3A : memref<!tpu.dma_semaphore, #tpu.memory_space<semaphore_mem>>)
      tpu.wait_dma2 semaphore(%run_scoped3A : memref<!tpu.dma_semaphore, #tpu.memory_space<semaphore_mem>>) src(%arg2 : memref<3072xf32, #tpu.memory_space<hbm>>) dst(%arg7 : memref<3072xf32, #tpu.memory_space<vmem>>)
      tpu.yield
    }) : () -> ()
    "tpu.region"() ({
      %run_scoped3A = tpu.sem_alloc : memref<!tpu.dma_semaphore, #tpu.memory_space<semaphore_mem>>
      tpu.enqueue_dma source(%arg3 : memref<48xf32, #tpu.memory_space<hbm>>) target(%arg8 : memref<48xf32, #tpu.memory_space<vmem>>) target_semaphore(%run_scoped3A : memref<!tpu.dma_semaphore, #tpu.memory_space<semaphore_mem>>)
      tpu.wait_dma2 semaphore(%run_scoped3A : memref<!tpu.dma_semaphore, #tpu.memory_space<semaphore_mem>>) src(%arg3 : memref<48xf32, #tpu.memory_space<hbm>>) dst(%arg8 : memref<48xf32, #tpu.memory_space<vmem>>)
      tpu.yield
    }) : () -> ()
    %get3A = arith.constant 0 : index
    %get3A_3 = tpu.vector_load %arg8[%get3A] {strides = array<i32>} : memref<48xf32, #tpu.memory_space<vmem>>, vector<16xf32>,
    %get3A_4 = arith.constant 16 : index
    %get3A_5 = tpu.vector_load %arg8[%get3A_4] {strides = array<i32>} : memref<48xf32, #tpu.memory_space<vmem>>, vector<16xf32>,
    %get3A_6 = arith.constant 32 : index
    %get3A_7 = tpu.vector_load %arg8[%get3A_6] {strides = array<i32>} : memref<48xf32, #tpu.memory_space<vmem>>, vector<16xf32>,
    %scan3A = arith.constant 0 : i32
    %scan3A_8 = arith.constant 0 : i32
    %scan3A_9 = arith.constant 32 : i32
    %scan3A_10 = arith.addi %scan3A_8, %scan3A_9 : i32
    %scan3A_11 = arith.constant 1 : i32
    %scan3A_12 = scf.for %scan3A_24 = %scan3A_8 to %scan3A_10 step %scan3A_11 iter_args(%scan3A_25 = %scan3A) -> (i32)  : i32 {
      %add3A_26 = arith.addi %mul3A_2, %scan3A_24 : i32
      %broadcast_in_dim3A = vector.broadcast %add3A_26 : i32 to vector<16xi32>
      %add3A_27 = arith.constant 0 : i32
      %add3A_28 = vector.broadcast %add3A_27 : i32 to vector<16xi32>
      %add3A_29 = arith.addi %broadcast_in_dim3A, %add3A_28 : vector<16xi32>
      %gather3A = tpu.vector_load_idx %arg7[%add3A_29] : memref<3072xf32, #tpu.memory_space<vmem>>[vector<16xi32>], vector<16xf32>,
      %add3A_30 = arith.constant 1024 : i32
      %add3A_31 = vector.broadcast %add3A_30 : i32 to vector<16xi32>
      %add3A_32 = arith.addi %broadcast_in_dim3A, %add3A_31 : vector<16xi32>
      %gather3A_33 = tpu.vector_load_idx %arg7[%add3A_32] : memref<3072xf32, #tpu.memory_space<vmem>>[vector<16xi32>], vector<16xf32>,
      %add3A_34 = arith.constant 2048 : i32
      %add3A_35 = vector.broadcast %add3A_34 : i32 to vector<16xi32>
      %add3A_36 = arith.addi %broadcast_in_dim3A, %add3A_35 : vector<16xi32>
      %gather3A_37 = tpu.vector_load_idx %arg7[%add3A_36] : memref<3072xf32, #tpu.memory_space<vmem>>[vector<16xi32>], vector<16xf32>,
      %broadcast_in_dim3A_38 = arith.constant 3.000000e+38 : f32
      %broadcast_in_dim3A_39 = vector.broadcast %broadcast_in_dim3A_38 : f32 to vector<16xf32>
      %broadcast_in_dim3A_40 = arith.constant 0 : i32
      %broadcast_in_dim3A_41 = vector.broadcast %broadcast_in_dim3A_40 : i32 to vector<16xi32>
      %broadcast_in_dim3A_42 = arith.constant 3.000000e+38 : f32
      %broadcast_in_dim3A_43 = vector.broadcast %broadcast_in_dim3A_42 : f32 to vector<16xf32>
      %broadcast_in_dim3A_44 = arith.constant 0 : i32
      %broadcast_in_dim3A_45 = vector.broadcast %broadcast_in_dim3A_44 : i32 to vector<16xi32>
      %scan3A_46 = arith.constant 3.000000e+38 : f32
      %scan3A_47 = arith.constant 0 : i32
      %scan3A_48 = arith.constant 0 : i32
      %scan3A_49 = arith.constant 8 : i32
      %scan3A_50 = arith.addi %scan3A_48, %scan3A_49 : i32
      %scan3A_51 = arith.constant 1 : i32
      %scan3A_52:6 = scf.for %scan3A_261 = %scan3A_48 to %scan3A_50 step %scan3A_51 iter_args(%scan3A_262 = %broadcast_in_dim3A_39, %scan3A_263 = %broadcast_in_dim3A_41, %scan3A_264 = %broadcast_in_dim3A_43, %scan3A_265 = %broadcast_in_dim3A_45, %scan3A_266 = %scan3A_46, %scan3A_267 = %scan3A_47) -> (vector<16xf32>, vector<16xi32>, vector<16xf32>, vector<16xi32>, f32, i32)  : i32 {
        %mul3A_268 = arith.constant 128 : i32
        %mul3A_269 = arith.muli %scan3A_261, %mul3A_268 : i32
        %add3A_270 = arith.constant 0 : i32
        %add3A_271 = arith.addi %mul3A_269, %add3A_270 : i32
        %add3A_272 = arith.constant 0 : i32
        %add3A_273 = arith.addi %add3A_272, %add3A_271 : i32
        %get3A_274 = arith.index_cast %add3A_273 : i32 to index
        %get3A_275 = tpu.vector_load %arg7[%get3A_274] {strides = array<i32>} : memref<3072xf32, #tpu.memory_space<vmem>>, vector<16xf32>,
        %sub3A_276 = arith.subf %get3A_275, %gather3A : vector<16xf32>
        %gt3A = arith.constant 0.000000e+00 : f32
        %gt3A_277 = vector.broadcast %gt3A : f32 to vector<16xf32>
        %gt3A_278 = arith.cmpf ogt, %sub3A_276, %gt3A_277 : vector<16xf32>
        %neg3A = arith.constant 0.000000e+00 : f32
        %neg3A_279 = vector.broadcast %neg3A : f32 to vector<16xf32>
        %neg3A_280 = arith.subf %neg3A_279, %get3A_3 : vector<16xf32>
        %select_n3A_281 = arith.select %gt3A_278, %neg3A_280, %get3A_3 : vector<16xi1>, vector<16xf32>
        %add3A_282 = arith.addf %get3A_275, %select_n3A_281 : vector<16xf32>
        %sub3A_283 = arith.subf %add3A_282, %gather3A : vector<16xf32>
        %mul3A_284 = arith.mulf %sub3A_276, %sub3A_276 : vector<16xf32>
        %mul3A_285 = arith.mulf %sub3A_283, %sub3A_283 : vector<16xf32>
        %min3A = arith.minimumf %mul3A_284, %mul3A_285 : vector<16xf32>
        %add3A_286 = arith.constant 1024 : i32
        %add3A_287 = arith.addi %add3A_286, %add3A_271 : i32
        %get3A_288 = arith.index_cast %add3A_287 : i32 to index
        %get3A_289 = tpu.vector_load %arg7[%get3A_288] {strides = array<i32>} : memref<3072xf32, #tpu.memory_space<vmem>>, vector<16xf32>,
        %sub3A_290 = arith.subf %get3A_289, %gather3A_33 : vector<16xf32>
        %gt3A_291 = arith.constant 0.000000e+00 : f32
        %gt3A_292 = vector.broadcast %gt3A_291 : f32 to vector<16xf32>
        %gt3A_293 = arith.cmpf ogt, %sub3A_290, %gt3A_292 : vector<16xf32>
        %neg3A_294 = arith.constant 0.000000e+00 : f32
        %neg3A_295 = vector.broadcast %neg3A_294 : f32 to vector<16xf32>
        %neg3A_296 = arith.subf %neg3A_295, %get3A_5 : vector<16xf32>
        %select_n3A_297 = arith.select %gt3A_293, %neg3A_296, %get3A_5 : vector<16xi1>, vector<16xf32>
        %add3A_298 = arith.addf %get3A_289, %select_n3A_297 : vector<16xf32>
        %sub3A_299 = arith.subf %add3A_298, %gather3A_33 : vector<16xf32>
        %mul3A_300 = arith.mulf %sub3A_290, %sub3A_290 : vector<16xf32>
        %mul3A_301 = arith.mulf %sub3A_299, %sub3A_299 : vector<16xf32>
        %min3A_302 = arith.minimumf %mul3A_300, %mul3A_301 : vector<16xf32>
        %add3A_303 = arith.addf %min3A, %min3A_302 : vector<16xf32>
        %add3A_304 = arith.constant 2048 : i32
        %add3A_305 = arith.addi %add3A_304, %add3A_271 : i32
        %get3A_306 = arith.index_cast %add3A_305 : i32 to index
        %get3A_307 = tpu.vector_load %arg7[%get3A_306] {strides = array<i32>} : memref<3072xf32, #tpu.memory_space<vmem>>, vector<16xf32>,
        %sub3A_308 = arith.subf %get3A_307, %gather3A_37 : vector<16xf32>
        %gt3A_309 = arith.constant 0.000000e+00 : f32
        %gt3A_310 = vector.broadcast %gt3A_309 : f32 to vector<16xf32>
        %gt3A_311 = arith.cmpf ogt, %sub3A_308, %gt3A_310 : vector<16xf32>
        %neg3A_312 = arith.constant 0.000000e+00 : f32
        %neg3A_313 = vector.broadcast %neg3A_312 : f32 to vector<16xf32>
        %neg3A_314 = arith.subf %neg3A_313, %get3A_7 : vector<16xf32>
        %select_n3A_315 = arith.select %gt3A_311, %neg3A_314, %get3A_7 : vector<16xi1>, vector<16xf32>
        %add3A_316 = arith.addf %get3A_307, %select_n3A_315 : vector<16xf32>
        %sub3A_317 = arith.subf %add3A_316, %gather3A_37 : vector<16xf32>
        %mul3A_318 = arith.mulf %sub3A_308, %sub3A_308 : vector<16xf32>
        %mul3A_319 = arith.mulf %sub3A_317, %sub3A_317 : vector<16xf32>
        %min3A_320 = arith.minimumf %mul3A_318, %mul3A_319 : vector<16xf32>
        %add3A_321 = arith.addf %add3A_303, %min3A_320 : vector<16xf32>
        %iota3A = tpu.iota {dimensions = array<i32: 0>} : vector<16xi32>
        %add3A_322 = vector.broadcast %add3A_271 : i32 to vector<16xi32>
        %add3A_323 = arith.addi %iota3A, %add3A_322 : vector<16xi32>
        %gt3A_324 = arith.constant 2.250000e+02 : f32
        %gt3A_325 = vector.broadcast %gt3A_324 : f32 to vector<16xf32>
        %gt3A_326 = arith.cmpf ogt, %add3A_321, %gt3A_325 : vector<16xf32>
        %jit3A_327 = arith.constant 9.000000e+02 : f32
        %broadcast_in_dim3A_328 = vector.broadcast %jit3A_327 : f32 to vector<16xf32>
        %select_n3A_329 = arith.select %gt3A_326, %broadcast_in_dim3A_328, %add3A_321 : vector<16xi1>, vector<16xf32>
        %eq3A = vector.broadcast %add3A_26 : i32 to vector<16xi32>
        %eq3A_330 = arith.cmpi eq, %add3A_323, %eq3A : vector<16xi32>
        %jit3A_331 = arith.constant 9.000000e+02 : f32
        %broadcast_in_dim3A_332 = vector.broadcast %jit3A_331 : f32 to vector<16xf32>
        %select_n3A_333 = arith.select %eq3A_330, %broadcast_in_dim3A_332, %select_n3A_329 : vector<16xi1>, vector<16xf32>
        %lt3A_334 = vector.broadcast %scan3A_266 : f32 to vector<16xf32>
        %lt3A_335 = arith.cmpf olt, %select_n3A_333, %lt3A_334 : vector<16xf32>
        %swap3A_336 = arith.index_cast %scan3A_267 : i32 to index
        %swap3A_337 = tpu.vector_load %arg9[%swap3A_336] masked %lt3A_335 {strides = array<i32>} : memref<184xf32, #tpu.memory_space<vmem>>, vector<16xf32>, vector<16xi1>
        tpu.vector_store %arg9[%swap3A_336], %select_n3A_333 masked %lt3A_335 {strides = array<i32>} : memref<184xf32, #tpu.memory_space<vmem>>, vector<16xf32>, vector<16xi1>
        %swap3A_338 = arith.index_cast %scan3A_267 : i32 to index
        %swap3A_339 = tpu.vector_load %arg10[%swap3A_338] masked %lt3A_335 {strides = array<i32>} : memref<184xi32, #tpu.memory_space<vmem>>, vector<16xi32>, vector<16xi1>
        tpu.vector_store %arg10[%swap3A_338], %add3A_323 masked %lt3A_335 {strides = array<i32>} : memref<184xi32, #tpu.memory_space<vmem>>, vector<16xi32>, vector<16xi1>
        %all_reduce_population_count3A = tpu.all_reduce %lt3A_335 {dim = 0 : i64, kind = #tpu.reduction_kind<sum>} : vector<16xi1> -> vector<16xi32>
        %slice3A = vector.extract_strided_slice %all_reduce_population_count3A {offsets = [0], sizes = [1], strides = [1]} : vector<16xi32> to vector<1xi32>
        %squeeze3A = vector.extract %slice3A[0] : i32 from vector<1xi32>
        %add3A_340 = arith.addi %scan3A_267, %squeeze3A : i32
        %add3A_341 = arith.constant 16 : i32
        %add3A_342 = arith.addi %mul3A_269, %add3A_341 : i32
        %add3A_343 = arith.constant 0 : i32
        %add3A_344 = arith.addi %add3A_343, %add3A_342 : i32
        %get3A_345 = arith.index_cast %add3A_344 : i32 to index
        %get3A_346 = tpu.vector_load %arg7[%get3A_345] {strides = array<i32>} : memref<3072xf32, #tpu.memory_space<vmem>>, vector<16xf32>,
        %sub3A_347 = arith.subf %get3A_346, %gather3A : vector<16xf32>
        %gt3A_348 = arith.constant 0.000000e+00 : f32
        %gt3A_349 = vector.broadcast %gt3A_348 : f32 to vector<16xf32>
        %gt3A_350 = arith.cmpf ogt, %sub3A_347, %gt3A_349 : vector<16xf32>
        %neg3A_351 = arith.constant 0.000000e+00 : f32
        %neg3A_352 = vector.broadcast %neg3A_351 : f32 to vector<16xf32>
        %neg3A_353 = arith.subf %neg3A_352, %get3A_3 : vector<16xf32>
        %select_n3A_354 = arith.select %gt3A_350, %neg3A_353, %get3A_3 : vector<16xi1>, vector<16xf32>
        %add3A_355 = arith.addf %get3A_346, %select_n3A_354 : vector<16xf32>
        %sub3A_356 = arith.subf %add3A_355, %gather3A : vector<16xf32>
        %mul3A_357 = arith.mulf %sub3A_347, %sub3A_347 : vector<16xf32>
        %mul3A_358 = arith.mulf %sub3A_356, %sub3A_356 : vector<16xf32>
        %min3A_359 = arith.minimumf %mul3A_357, %mul3A_358 : vector<16xf32>
        %add3A_360 = arith.constant 1024 : i32
        %add3A_361 = arith.addi %add3A_360, %add3A_342 : i32
        %get3A_362 = arith.index_cast %add3A_361 : i32 to index
        %get3A_363 = tpu.vector_load %arg7[%get3A_362] {strides = array<i32>} : memref<3072xf32, #tpu.memory_space<vmem>>, vector<16xf32>,
        %sub3A_364 = arith.subf %get3A_363, %gather3A_33 : vector<16xf32>
        %gt3A_365 = arith.constant 0.000000e+00 : f32
        %gt3A_366 = vector.broadcast %gt3A_365 : f32 to vector<16xf32>
        %gt3A_367 = arith.cmpf ogt, %sub3A_364, %gt3A_366 : vector<16xf32>
        %neg3A_368 = arith.constant 0.000000e+00 : f32
        %neg3A_369 = vector.broadcast %neg3A_368 : f32 to vector<16xf32>
        %neg3A_370 = arith.subf %neg3A_369, %get3A_5 : vector<16xf32>
        %select_n3A_371 = arith.select %gt3A_367, %neg3A_370, %get3A_5 : vector<16xi1>, vector<16xf32>
        %add3A_372 = arith.addf %get3A_363, %select_n3A_371 : vector<16xf32>
        %sub3A_373 = arith.subf %add3A_372, %gather3A_33 : vector<16xf32>
        %mul3A_374 = arith.mulf %sub3A_364, %sub3A_364 : vector<16xf32>
        %mul3A_375 = arith.mulf %sub3A_373, %sub3A_373 : vector<16xf32>
        %min3A_376 = arith.minimumf %mul3A_374, %mul3A_375 : vector<16xf32>
        %add3A_377 = arith.addf %min3A_359, %min3A_376 : vector<16xf32>
        %add3A_378 = arith.constant 2048 : i32
        %add3A_379 = arith.addi %add3A_378, %add3A_342 : i32
        %get3A_380 = arith.index_cast %add3A_379 : i32 to index
        %get3A_381 = tpu.vector_load %arg7[%get3A_380] {strides = array<i32>} : memref<3072xf32, #tpu.memory_space<vmem>>, vector<16xf32>,
        %sub3A_382 = arith.subf %get3A_381, %gather3A_37 : vector<16xf32>
        %gt3A_383 = arith.constant 0.000000e+00 : f32
        %gt3A_384 = vector.broadcast %gt3A_383 : f32 to vector<16xf32>
        %gt3A_385 = arith.cmpf ogt, %sub3A_382, %gt3A_384 : vector<16xf32>
        %neg3A_386 = arith.constant 0.000000e+00 : f32
        %neg3A_387 = vector.broadcast %neg3A_386 : f32 to vector<16xf32>
        %neg3A_388 = arith.subf %neg3A_387, %get3A_7 : vector<16xf32>
        %select_n3A_389 = arith.select %gt3A_385, %neg3A_388, %get3A_7 : vector<16xi1>, vector<16xf32>
        %add3A_390 = arith.addf %get3A_381, %select_n3A_389 : vector<16xf32>
        %sub3A_391 = arith.subf %add3A_390, %gather3A_37 : vector<16xf32>
        %mul3A_392 = arith.mulf %sub3A_382, %sub3A_382 : vector<16xf32>
        %mul3A_393 = arith.mulf %sub3A_391, %sub3A_391 : vector<16xf32>
        %min3A_394 = arith.minimumf %mul3A_392, %mul3A_393 : vector<16xf32>
        %add3A_395 = arith.addf %add3A_377, %min3A_394 : vector<16xf32>
        %iota3A_396 = tpu.iota {dimensions = array<i32: 0>} : vector<16xi32>
        %add3A_397 = vector.broadcast %add3A_342 : i32 to vector<16xi32>
        %add3A_398 = arith.addi %iota3A_396, %add3A_397 : vector<16xi32>
        %gt3A_399 = arith.constant 2.250000e+02 : f32
        %gt3A_400 = vector.broadcast %gt3A_399 : f32 to vector<16xf32>
        %gt3A_401 = arith.cmpf ogt, %add3A_395, %gt3A_400 : vector<16xf32>
        %jit3A_402 = arith.constant 9.000000e+02 : f32
        %broadcast_in_dim3A_403 = vector.broadcast %jit3A_402 : f32 to vector<16xf32>
        %select_n3A_404 = arith.select %gt3A_401, %broadcast_in_dim3A_403, %add3A_395 : vector<16xi1>, vector<16xf32>
        %eq3A_405 = vector.broadcast %add3A_26 : i32 to vector<16xi32>
        %eq3A_406 = arith.cmpi eq, %add3A_398, %eq3A_405 : vector<16xi32>
        %jit3A_407 = arith.constant 9.000000e+02 : f32
        %broadcast_in_dim3A_408 = vector.broadcast %jit3A_407 : f32 to vector<16xf32>
        %select_n3A_409 = arith.select %eq3A_406, %broadcast_in_dim3A_408, %select_n3A_404 : vector<16xi1>, vector<16xf32>
        %lt3A_410 = vector.broadcast %scan3A_266 : f32 to vector<16xf32>
        %lt3A_411 = arith.cmpf olt, %select_n3A_409, %lt3A_410 : vector<16xf32>
        %swap3A_412 = arith.index_cast %add3A_340 : i32 to index
        %swap3A_413 = tpu.vector_load %arg9[%swap3A_412] masked %lt3A_411 {strides = array<i32>} : memref<184xf32, #tpu.memory_space<vmem>>, vector<16xf32>, vector<16xi1>
        tpu.vector_store %arg9[%swap3A_412], %select_n3A_409 masked %lt3A_411 {strides = array<i32>} : memref<184xf32, #tpu.memory_space<vmem>>, vector<16xf32>, vector<16xi1>
        %swap3A_414 = arith.index_cast %add3A_340 : i32 to index
        %swap3A_415 = tpu.vector_load %arg10[%swap3A_414] masked %lt3A_411 {strides = array<i32>} : memref<184xi32, #tpu.memory_space<vmem>>, vector<16xi32>, vector<16xi1>
        tpu.vector_store %arg10[%swap3A_414], %add3A_398 masked %lt3A_411 {strides = array<i32>} : memref<184xi32, #tpu.memory_space<vmem>>, vector<16xi32>, vector<16xi1>
        %all_reduce_population_count3A_416 = tpu.all_reduce %lt3A_411 {dim = 0 : i64, kind = #tpu.reduction_kind<sum>} : vector<16xi1> -> vector<16xi32>
        %slice3A_417 = vector.extract_strided_slice %all_reduce_population_count3A_416 {offsets = [0], sizes = [1], strides = [1]} : vector<16xi32> to vector<1xi32>
        %squeeze3A_418 = vector.extract %slice3A_417[0] : i32 from vector<1xi32>
        %add3A_419 = arith.addi %add3A_340, %squeeze3A_418 : i32
        %add3A_420 = arith.constant 32 : i32
        %add3A_421 = arith.addi %mul3A_269, %add3A_420 : i32
        %add3A_422 = arith.constant 0 : i32
        %add3A_423 = arith.addi %add3A_422, %add3A_421 : i32
        %get3A_424 = arith.index_cast %add3A_423 : i32 to index
        %get3A_425 = tpu.vector_load %arg7[%get3A_424] {strides = array<i32>} : memref<3072xf32, #tpu.memory_space<vmem>>, vector<16xf32>,
        %sub3A_426 = arith.subf %get3A_425, %gather3A : vector<16xf32>
        %gt3A_427 = arith.constant 0.000000e+00 : f32
        %gt3A_428 = vector.broadcast %gt3A_427 : f32 to vector<16xf32>
        %gt3A_429 = arith.cmpf ogt, %sub3A_426, %gt3A_428 : vector<16xf32>
        %neg3A_430 = arith.constant 0.000000e+00 : f32
        %neg3A_431 = vector.broadcast %neg3A_430 : f32 to vector<16xf32>
        %neg3A_432 = arith.subf %neg3A_431, %get3A_3 : vector<16xf32>
        %select_n3A_433 = arith.select %gt3A_429, %neg3A_432, %get3A_3 : vector<16xi1>, vector<16xf32>
        %add3A_434 = arith.addf %get3A_425, %select_n3A_433 : vector<16xf32>
        %sub3A_435 = arith.subf %add3A_434, %gather3A : vector<16xf32>
        %mul3A_436 = arith.mulf %sub3A_426, %sub3A_426 : vector<16xf32>
        %mul3A_437 = arith.mulf %sub3A_435, %sub3A_435 : vector<16xf32>
        %min3A_438 = arith.minimumf %mul3A_436, %mul3A_437 : vector<16xf32>
        %add3A_439 = arith.constant 1024 : i32
        %add3A_440 = arith.addi %add3A_439, %add3A_421 : i32
        %get3A_441 = arith.index_cast %add3A_440 : i32 to index
        %get3A_442 = tpu.vector_load %arg7[%get3A_441] {strides = array<i32>} : memref<3072xf32, #tpu.memory_space<vmem>>, vector<16xf32>,
        %sub3A_443 = arith.subf %get3A_442, %gather3A_33 : vector<16xf32>
        %gt3A_444 = arith.constant 0.000000e+00 : f32
        %gt3A_445 = vector.broadcast %gt3A_444 : f32 to vector<16xf32>
        %gt3A_446 = arith.cmpf ogt, %sub3A_443, %gt3A_445 : vector<16xf32>
        %neg3A_447 = arith.constant 0.000000e+00 : f32
        %neg3A_448 = vector.broadcast %neg3A_447 : f32 to vector<16xf32>
        %neg3A_449 = arith.subf %neg3A_448, %get3A_5 : vector<16xf32>
        %select_n3A_450 = arith.select %gt3A_446, %neg3A_449, %get3A_5 : vector<16xi1>, vector<16xf32>
        %add3A_451 = arith.addf %get3A_442, %select_n3A_450 : vector<16xf32>
        %sub3A_452 = arith.subf %add3A_451, %gather3A_33 : vector<16xf32>
        %mul3A_453 = arith.mulf %sub3A_443, %sub3A_443 : vector<16xf32>
        %mul3A_454 = arith.mulf %sub3A_452, %sub3A_452 : vector<16xf32>
        %min3A_455 = arith.minimumf %mul3A_453, %mul3A_454 : vector<16xf32>
        %add3A_456 = arith.addf %min3A_438, %min3A_455 : vector<16xf32>
        %add3A_457 = arith.constant 2048 : i32
        %add3A_458 = arith.addi %add3A_457, %add3A_421 : i32
        %get3A_459 = arith.index_cast %add3A_458 : i32 to index
        %get3A_460 = tpu.vector_load %arg7[%get3A_459] {strides = array<i32>} : memref<3072xf32, #tpu.memory_space<vmem>>, vector<16xf32>,
        %sub3A_461 = arith.subf %get3A_460, %gather3A_37 : vector<16xf32>
        %gt3A_462 = arith.constant 0.000000e+00 : f32
        %gt3A_463 = vector.broadcast %gt3A_462 : f32 to vector<16xf32>
        %gt3A_464 = arith.cmpf ogt, %sub3A_461, %gt3A_463 : vector<16xf32>
        %neg3A_465 = arith.constant 0.000000e+00 : f32
        %neg3A_466 = vector.broadcast %neg3A_465 : f32 to vector<16xf32>
        %neg3A_467 = arith.subf %neg3A_466, %get3A_7 : vector<16xf32>
        %select_n3A_468 = arith.select %gt3A_464, %neg3A_467, %get3A_7 : vector<16xi1>, vector<16xf32>
        %add3A_469 = arith.addf %get3A_460, %select_n3A_468 : vector<16xf32>
        %sub3A_470 = arith.subf %add3A_469, %gather3A_37 : vector<16xf32>
        %mul3A_471 = arith.mulf %sub3A_461, %sub3A_461 : vector<16xf32>
        %mul3A_472 = arith.mulf %sub3A_470, %sub3A_470 : vector<16xf32>
        %min3A_473 = arith.minimumf %mul3A_471, %mul3A_472 : vector<16xf32>
        %add3A_474 = arith.addf %add3A_456, %min3A_473 : vector<16xf32>
        %iota3A_475 = tpu.iota {dimensions = array<i32: 0>} : vector<16xi32>
        %add3A_476 = vector.broadcast %add3A_421 : i32 to vector<16xi32>
        %add3A_477 = arith.addi %iota3A_475, %add3A_476 : vector<16xi32>
        %gt3A_478 = arith.constant 2.250000e+02 : f32
        %gt3A_479 = vector.broadcast %gt3A_478 : f32 to vector<16xf32>
        %gt3A_480 = arith.cmpf ogt, %add3A_474, %gt3A_479 : vector<16xf32>
        %jit3A_481 = arith.constant 9.000000e+02 : f32
        %broadcast_in_dim3A_482 = vector.broadcast %jit3A_481 : f32 to vector<16xf32>
        %select_n3A_483 = arith.select %gt3A_480, %broadcast_in_dim3A_482, %add3A_474 : vector<16xi1>, vector<16xf32>
        %eq3A_484 = vector.broadcast %add3A_26 : i32 to vector<16xi32>
        %eq3A_485 = arith.cmpi eq, %add3A_477, %eq3A_484 : vector<16xi32>
        %jit3A_486 = arith.constant 9.000000e+02 : f32
        %broadcast_in_dim3A_487 = vector.broadcast %jit3A_486 : f32 to vector<16xf32>
        %select_n3A_488 = arith.select %eq3A_485, %broadcast_in_dim3A_487, %select_n3A_483 : vector<16xi1>, vector<16xf32>
        %lt3A_489 = vector.broadcast %scan3A_266 : f32 to vector<16xf32>
        %lt3A_490 = arith.cmpf olt, %select_n3A_488, %lt3A_489 : vector<16xf32>
        %swap3A_491 = arith.index_cast %add3A_419 : i32 to index
        %swap3A_492 = tpu.vector_load %arg9[%swap3A_491] masked %lt3A_490 {strides = array<i32>} : memref<184xf32, #tpu.memory_space<vmem>>, vector<16xf32>, vector<16xi1>
        tpu.vector_store %arg9[%swap3A_491], %select_n3A_488 masked %lt3A_490 {strides = array<i32>} : memref<184xf32, #tpu.memory_space<vmem>>, vector<16xf32>, vector<16xi1>
        %swap3A_493 = arith.index_cast %add3A_419 : i32 to index
        %swap3A_494 = tpu.vector_load %arg10[%swap3A_493] masked %lt3A_490 {strides = array<i32>} : memref<184xi32, #tpu.memory_space<vmem>>, vector<16xi32>, vector<16xi1>
        tpu.vector_store %arg10[%swap3A_493], %add3A_477 masked %lt3A_490 {strides = array<i32>} : memref<184xi32, #tpu.memory_space<vmem>>, vector<16xi32>, vector<16xi1>
        %all_reduce_population_count3A_495 = tpu.all_reduce %lt3A_490 {dim = 0 : i64, kind = #tpu.reduction_kind<sum>} : vector<16xi1> -> vector<16xi32>
        %slice3A_496 = vector.extract_strided_slice %all_reduce_population_count3A_495 {offsets = [0], sizes = [1], strides = [1]} : vector<16xi32> to vector<1xi32>
        %squeeze3A_497 = vector.extract %slice3A_496[0] : i32 from vector<1xi32>
        %add3A_498 = arith.addi %add3A_419, %squeeze3A_497 : i32
        %add3A_499 = arith.constant 48 : i32
        %add3A_500 = arith.addi %mul3A_269, %add3A_499 : i32
        %add3A_501 = arith.constant 0 : i32
        %add3A_502 = arith.addi %add3A_501, %add3A_500 : i32
        %get3A_503 = arith.index_cast %add3A_502 : i32 to index
        %get3A_504 = tpu.vector_load %arg7[%get3A_503] {strides = array<i32>} : memref<3072xf32, #tpu.memory_space<vmem>>, vector<16xf32>,
        %sub3A_505 = arith.subf %get3A_504, %gather3A : vector<16xf32>
        %gt3A_506 = arith.constant 0.000000e+00 : f32
        %gt3A_507 = vector.broadcast %gt3A_506 : f32 to vector<16xf32>
        %gt3A_508 = arith.cmpf ogt, %sub3A_505, %gt3A_507 : vector<16xf32>
        %neg3A_509 = arith.constant 0.000000e+00 : f32
        %neg3A_510 = vector.broadcast %neg3A_509 : f32 to vector<16xf32>
        %neg3A_511 = arith.subf %neg3A_510, %get3A_3 : vector<16xf32>
        %select_n3A_512 = arith.select %gt3A_508, %neg3A_511, %get3A_3 : vector<16xi1>, vector<16xf32>
        %add3A_513 = arith.addf %get3A_504, %select_n3A_512 : vector<16xf32>
        %sub3A_514 = arith.subf %add3A_513, %gather3A : vector<16xf32>
        %mul3A_515 = arith.mulf %sub3A_505, %sub3A_505 : vector<16xf32>
        %mul3A_516 = arith.mulf %sub3A_514, %sub3A_514 : vector<16xf32>
        %min3A_517 = arith.minimumf %mul3A_515, %mul3A_516 : vector<16xf32>
        %add3A_518 = arith.constant 1024 : i32
        %add3A_519 = arith.addi %add3A_518, %add3A_500 : i32
        %get3A_520 = arith.index_cast %add3A_519 : i32 to index
        %get3A_521 = tpu.vector_load %arg7[%get3A_520] {strides = array<i32>} : memref<3072xf32, #tpu.memory_space<vmem>>, vector<16xf32>,
        %sub3A_522 = arith.subf %get3A_521, %gather3A_33 : vector<16xf32>
        %gt3A_523 = arith.constant 0.000000e+00 : f32
        %gt3A_524 = vector.broadcast %gt3A_523 : f32 to vector<16xf32>
        %gt3A_525 = arith.cmpf ogt, %sub3A_522, %gt3A_524 : vector<16xf32>
        %neg3A_526 = arith.constant 0.000000e+00 : f32
        %neg3A_527 = vector.broadcast %neg3A_526 : f32 to vector<16xf32>
        %neg3A_528 = arith.subf %neg3A_527, %get3A_5 : vector<16xf32>
        %select_n3A_529 = arith.select %gt3A_525, %neg3A_528, %get3A_5 : vector<16xi1>, vector<16xf32>
        %add3A_530 = arith.addf %get3A_521, %select_n3A_529 : vector<16xf32>
        %sub3A_531 = arith.subf %add3A_530, %gather3A_33 : vector<16xf32>
        %mul3A_532 = arith.mulf %sub3A_522, %sub3A_522 : vector<16xf32>
        %mul3A_533 = arith.mulf %sub3A_531, %sub3A_531 : vector<16xf32>
        %min3A_534 = arith.minimumf %mul3A_532, %mul3A_533 : vector<16xf32>
        %add3A_535 = arith.addf %min3A_517, %min3A_534 : vector<16xf32>
        %add3A_536 = arith.constant 2048 : i32
        %add3A_537 = arith.addi %add3A_536, %add3A_500 : i32
        %get3A_538 = arith.index_cast %add3A_537 : i32 to index
        %get3A_539 = tpu.vector_load %arg7[%get3A_538] {strides = array<i32>} : memref<3072xf32, #tpu.memory_space<vmem>>, vector<16xf32>,
        %sub3A_540 = arith.subf %get3A_539, %gather3A_37 : vector<16xf32>
        %gt3A_541 = arith.constant 0.000000e+00 : f32
        %gt3A_542 = vector.broadcast %gt3A_541 : f32 to vector<16xf32>
        %gt3A_543 = arith.cmpf ogt, %sub3A_540, %gt3A_542 : vector<16xf32>
        %neg3A_544 = arith.constant 0.000000e+00 : f32
        %neg3A_545 = vector.broadcast %neg3A_544 : f32 to vector<16xf32>
        %neg3A_546 = arith.subf %neg3A_545, %get3A_7 : vector<16xf32>
        %select_n3A_547 = arith.select %gt3A_543, %neg3A_546, %get3A_7 : vector<16xi1>, vector<16xf32>
        %add3A_548 = arith.addf %get3A_539, %select_n3A_547 : vector<16xf32>
        %sub3A_549 = arith.subf %add3A_548, %gather3A_37 : vector<16xf32>
        %mul3A_550 = arith.mulf %sub3A_540, %sub3A_540 : vector<16xf32>
        %mul3A_551 = arith.mulf %sub3A_549, %sub3A_549 : vector<16xf32>
        %min3A_552 = arith.minimumf %mul3A_550, %mul3A_551 : vector<16xf32>
        %add3A_553 = arith.addf %add3A_535, %min3A_552 : vector<16xf32>
        %iota3A_554 = tpu.iota {dimensions = array<i32: 0>} : vector<16xi32>
        %add3A_555 = vector.broadcast %add3A_500 : i32 to vector<16xi32>
        %add3A_556 = arith.addi %iota3A_554, %add3A_555 : vector<16xi32>
        %gt3A_557 = arith.constant 2.250000e+02 : f32
        %gt3A_558 = vector.broadcast %gt3A_557 : f32 to vector<16xf32>
        %gt3A_559 = arith.cmpf ogt, %add3A_553, %gt3A_558 : vector<16xf32>
        %jit3A_560 = arith.constant 9.000000e+02 : f32
        %broadcast_in_dim3A_561 = vector.broadcast %jit3A_560 : f32 to vector<16xf32>
        %select_n3A_562 = arith.select %gt3A_559, %broadcast_in_dim3A_561, %add3A_553 : vector<16xi1>, vector<16xf32>
        %eq3A_563 = vector.broadcast %add3A_26 : i32 to vector<16xi32>
        %eq3A_564 = arith.cmpi eq, %add3A_556, %eq3A_563 : vector<16xi32>
        %jit3A_565 = arith.constant 9.000000e+02 : f32
        %broadcast_in_dim3A_566 = vector.broadcast %jit3A_565 : f32 to vector<16xf32>
        %select_n3A_567 = arith.select %eq3A_564, %broadcast_in_dim3A_566, %select_n3A_562 : vector<16xi1>, vector<16xf32>
        %lt3A_568 = vector.broadcast %scan3A_266 : f32 to vector<16xf32>
        %lt3A_569 = arith.cmpf olt, %select_n3A_567, %lt3A_568 : vector<16xf32>
        %swap3A_570 = arith.index_cast %add3A_498 : i32 to index
        %swap3A_571 = tpu.vector_load %arg9[%swap3A_570] masked %lt3A_569 {strides = array<i32>} : memref<184xf32, #tpu.memory_space<vmem>>, vector<16xf32>, vector<16xi1>
        tpu.vector_store %arg9[%swap3A_570], %select_n3A_567 masked %lt3A_569 {strides = array<i32>} : memref<184xf32, #tpu.memory_space<vmem>>, vector<16xf32>, vector<16xi1>
        %swap3A_572 = arith.index_cast %add3A_498 : i32 to index
        %swap3A_573 = tpu.vector_load %arg10[%swap3A_572] masked %lt3A_569 {strides = array<i32>} : memref<184xi32, #tpu.memory_space<vmem>>, vector<16xi32>, vector<16xi1>
        tpu.vector_store %arg10[%swap3A_572], %add3A_556 masked %lt3A_569 {strides = array<i32>} : memref<184xi32, #tpu.memory_space<vmem>>, vector<16xi32>, vector<16xi1>
        %all_reduce_population_count3A_574 = tpu.all_reduce %lt3A_569 {dim = 0 : i64, kind = #tpu.reduction_kind<sum>} : vector<16xi1> -> vector<16xi32>
        %slice3A_575 = vector.extract_strided_slice %all_reduce_population_count3A_574 {offsets = [0], sizes = [1], strides = [1]} : vector<16xi32> to vector<1xi32>
        %squeeze3A_576 = vector.extract %slice3A_575[0] : i32 from vector<1xi32>
        %add3A_577 = arith.addi %add3A_498, %squeeze3A_576 : i32
        %add3A_578 = arith.constant 64 : i32
        %add3A_579 = arith.addi %mul3A_269, %add3A_578 : i32
        %add3A_580 = arith.constant 0 : i32
        %add3A_581 = arith.addi %add3A_580, %add3A_579 : i32
        %get3A_582 = arith.index_cast %add3A_581 : i32 to index
        %get3A_583 = tpu.vector_load %arg7[%get3A_582] {strides = array<i32>} : memref<3072xf32, #tpu.memory_space<vmem>>, vector<16xf32>,
        %sub3A_584 = arith.subf %get3A_583, %gather3A : vector<16xf32>
        %gt3A_585 = arith.constant 0.000000e+00 : f32
        %gt3A_586 = vector.broadcast %gt3A_585 : f32 to vector<16xf32>
        %gt3A_587 = arith.cmpf ogt, %sub3A_584, %gt3A_586 : vector<16xf32>
        %neg3A_588 = arith.constant 0.000000e+00 : f32
        %neg3A_589 = vector.broadcast %neg3A_588 : f32 to vector<16xf32>
        %neg3A_590 = arith.subf %neg3A_589, %get3A_3 : vector<16xf32>
        %select_n3A_591 = arith.select %gt3A_587, %neg3A_590, %get3A_3 : vector<16xi1>, vector<16xf32>
        %add3A_592 = arith.addf %get3A_583, %select_n3A_591 : vector<16xf32>
        %sub3A_593 = arith.subf %add3A_592, %gather3A : vector<16xf32>
        %mul3A_594 = arith.mulf %sub3A_584, %sub3A_584 : vector<16xf32>
        %mul3A_595 = arith.mulf %sub3A_593, %sub3A_593 : vector<16xf32>
        %min3A_596 = arith.minimumf %mul3A_594, %mul3A_595 : vector<16xf32>
        %add3A_597 = arith.constant 1024 : i32
        %add3A_598 = arith.addi %add3A_597, %add3A_579 : i32
        %get3A_599 = arith.index_cast %add3A_598 : i32 to index
        %get3A_600 = tpu.vector_load %arg7[%get3A_599] {strides = array<i32>} : memref<3072xf32, #tpu.memory_space<vmem>>, vector<16xf32>,
        %sub3A_601 = arith.subf %get3A_600, %gather3A_33 : vector<16xf32>
        %gt3A_602 = arith.constant 0.000000e+00 : f32
        %gt3A_603 = vector.broadcast %gt3A_602 : f32 to vector<16xf32>
        %gt3A_604 = arith.cmpf ogt, %sub3A_601, %gt3A_603 : vector<16xf32>
        %neg3A_605 = arith.constant 0.000000e+00 : f32
        %neg3A_606 = vector.broadcast %neg3A_605 : f32 to vector<16xf32>
        %neg3A_607 = arith.subf %neg3A_606, %get3A_5 : vector<16xf32>
        %select_n3A_608 = arith.select %gt3A_604, %neg3A_607, %get3A_5 : vector<16xi1>, vector<16xf32>
        %add3A_609 = arith.addf %get3A_600, %select_n3A_608 : vector<16xf32>
        %sub3A_610 = arith.subf %add3A_609, %gather3A_33 : vector<16xf32>
        %mul3A_611 = arith.mulf %sub3A_601, %sub3A_601 : vector<16xf32>
        %mul3A_612 = arith.mulf %sub3A_610, %sub3A_610 : vector<16xf32>
        %min3A_613 = arith.minimumf %mul3A_611, %mul3A_612 : vector<16xf32>
        %add3A_614 = arith.addf %min3A_596, %min3A_613 : vector<16xf32>
        %add3A_615 = arith.constant 2048 : i32
        %add3A_616 = arith.addi %add3A_615, %add3A_579 : i32
        %get3A_617 = arith.index_cast %add3A_616 : i32 to index
        %get3A_618 = tpu.vector_load %arg7[%get3A_617] {strides = array<i32>} : memref<3072xf32, #tpu.memory_space<vmem>>, vector<16xf32>,
        %sub3A_619 = arith.subf %get3A_618, %gather3A_37 : vector<16xf32>
        %gt3A_620 = arith.constant 0.000000e+00 : f32
        %gt3A_621 = vector.broadcast %gt3A_620 : f32 to vector<16xf32>
        %gt3A_622 = arith.cmpf ogt, %sub3A_619, %gt3A_621 : vector<16xf32>
        %neg3A_623 = arith.constant 0.000000e+00 : f32
        %neg3A_624 = vector.broadcast %neg3A_623 : f32 to vector<16xf32>
        %neg3A_625 = arith.subf %neg3A_624, %get3A_7 : vector<16xf32>
        %select_n3A_626 = arith.select %gt3A_622, %neg3A_625, %get3A_7 : vector<16xi1>, vector<16xf32>
        %add3A_627 = arith.addf %get3A_618, %select_n3A_626 : vector<16xf32>
        %sub3A_628 = arith.subf %add3A_627, %gather3A_37 : vector<16xf32>
        %mul3A_629 = arith.mulf %sub3A_619, %sub3A_619 : vector<16xf32>
        %mul3A_630 = arith.mulf %sub3A_628, %sub3A_628 : vector<16xf32>
        %min3A_631 = arith.minimumf %mul3A_629, %mul3A_630 : vector<16xf32>
        %add3A_632 = arith.addf %add3A_614, %min3A_631 : vector<16xf32>
        %iota3A_633 = tpu.iota {dimensions = array<i32: 0>} : vector<16xi32>
        %add3A_634 = vector.broadcast %add3A_579 : i32 to vector<16xi32>
        %add3A_635 = arith.addi %iota3A_633, %add3A_634 : vector<16xi32>
        %gt3A_636 = arith.constant 2.250000e+02 : f32
        %gt3A_637 = vector.broadcast %gt3A_636 : f32 to vector<16xf32>
        %gt3A_638 = arith.cmpf ogt, %add3A_632, %gt3A_637 : vector<16xf32>
        %jit3A_639 = arith.constant 9.000000e+02 : f32
        %broadcast_in_dim3A_640 = vector.broadcast %jit3A_639 : f32 to vector<16xf32>
        %select_n3A_641 = arith.select %gt3A_638, %broadcast_in_dim3A_640, %add3A_632 : vector<16xi1>, vector<16xf32>
        %eq3A_642 = vector.broadcast %add3A_26 : i32 to vector<16xi32>
        %eq3A_643 = arith.cmpi eq, %add3A_635, %eq3A_642 : vector<16xi32>
        %jit3A_644 = arith.constant 9.000000e+02 : f32
        %broadcast_in_dim3A_645 = vector.broadcast %jit3A_644 : f32 to vector<16xf32>
        %select_n3A_646 = arith.select %eq3A_643, %broadcast_in_dim3A_645, %select_n3A_641 : vector<16xi1>, vector<16xf32>
        %lt3A_647 = vector.broadcast %scan3A_266 : f32 to vector<16xf32>
        %lt3A_648 = arith.cmpf olt, %select_n3A_646, %lt3A_647 : vector<16xf32>
        %swap3A_649 = arith.index_cast %add3A_577 : i32 to index
        %swap3A_650 = tpu.vector_load %arg9[%swap3A_649] masked %lt3A_648 {strides = array<i32>} : memref<184xf32, #tpu.memory_space<vmem>>, vector<16xf32>, vector<16xi1>
        tpu.vector_store %arg9[%swap3A_649], %select_n3A_646 masked %lt3A_648 {strides = array<i32>} : memref<184xf32, #tpu.memory_space<vmem>>, vector<16xf32>, vector<16xi1>
        %swap3A_651 = arith.index_cast %add3A_577 : i32 to index
        %swap3A_652 = tpu.vector_load %arg10[%swap3A_651] masked %lt3A_648 {strides = array<i32>} : memref<184xi32, #tpu.memory_space<vmem>>, vector<16xi32>, vector<16xi1>
        tpu.vector_store %arg10[%swap3A_651], %add3A_635 masked %lt3A_648 {strides = array<i32>} : memref<184xi32, #tpu.memory_space<vmem>>, vector<16xi32>, vector<16xi1>
        %all_reduce_population_count3A_653 = tpu.all_reduce %lt3A_648 {dim = 0 : i64, kind = #tpu.reduction_kind<sum>} : vector<16xi1> -> vector<16xi32>
        %slice3A_654 = vector.extract_strided_slice %all_reduce_population_count3A_653 {offsets = [0], sizes = [1], strides = [1]} : vector<16xi32> to vector<1xi32>
        %squeeze3A_655 = vector.extract %slice3A_654[0] : i32 from vector<1xi32>
        %add3A_656 = arith.addi %add3A_577, %squeeze3A_655 : i32
        %add3A_657 = arith.constant 80 : i32
        %add3A_658 = arith.addi %mul3A_269, %add3A_657 : i32
        %add3A_659 = arith.constant 0 : i32
        %add3A_660 = arith.addi %add3A_659, %add3A_658 : i32
        %get3A_661 = arith.index_cast %add3A_660 : i32 to index
        %get3A_662 = tpu.vector_load %arg7[%get3A_661] {strides = array<i32>} : memref<3072xf32, #tpu.memory_space<vmem>>, vector<16xf32>,
        %sub3A_663 = arith.subf %get3A_662, %gather3A : vector<16xf32>
        %gt3A_664 = arith.constant 0.000000e+00 : f32
        %gt3A_665 = vector.broadcast %gt3A_664 : f32 to vector<16xf32>
        %gt3A_666 = arith.cmpf ogt, %sub3A_663, %gt3A_665 : vector<16xf32>
        %neg3A_667 = arith.constant 0.000000e+00 : f32
        %neg3A_668 = vector.broadcast %neg3A_667 : f32 to vector<16xf32>
        %neg3A_669 = arith.subf %neg3A_668, %get3A_3 : vector<16xf32>
        %select_n3A_670 = arith.select %gt3A_666, %neg3A_669, %get3A_3 : vector<16xi1>, vector<16xf32>
        %add3A_671 = arith.addf %get3A_662, %select_n3A_670 : vector<16xf32>
        %sub3A_672 = arith.subf %add3A_671, %gather3A : vector<16xf32>
        %mul3A_673 = arith.mulf %sub3A_663, %sub3A_663 : vector<16xf32>
        %mul3A_674 = arith.mulf %sub3A_672, %sub3A_672 : vector<16xf32>
        %min3A_675 = arith.minimumf %mul3A_673, %mul3A_674 : vector<16xf32>
        %add3A_676 = arith.constant 1024 : i32
        %add3A_677 = arith.addi %add3A_676, %add3A_658 : i32
        %get3A_678 = arith.index_cast %add3A_677 : i32 to index
        %get3A_679 = tpu.vector_load %arg7[%get3A_678] {strides = array<i32>} : memref<3072xf32, #tpu.memory_space<vmem>>, vector<16xf32>,
        %sub3A_680 = arith.subf %get3A_679, %gather3A_33 : vector<16xf32>
        %gt3A_681 = arith.constant 0.000000e+00 : f32
        %gt3A_682 = vector.broadcast %gt3A_681 : f32 to vector<16xf32>
        %gt3A_683 = arith.cmpf ogt, %sub3A_680, %gt3A_682 : vector<16xf32>
        %neg3A_684 = arith.constant 0.000000e+00 : f32
        %neg3A_685 = vector.broadcast %neg3A_684 : f32 to vector<16xf32>
        %neg3A_686 = arith.subf %neg3A_685, %get3A_5 : vector<16xf32>
        %select_n3A_687 = arith.select %gt3A_683, %neg3A_686, %get3A_5 : vector<16xi1>, vector<16xf32>
        %add3A_688 = arith.addf %get3A_679, %select_n3A_687 : vector<16xf32>
        %sub3A_689 = arith.subf %add3A_688, %gather3A_33 : vector<16xf32>
        %mul3A_690 = arith.mulf %sub3A_680, %sub3A_680 : vector<16xf32>
        %mul3A_691 = arith.mulf %sub3A_689, %sub3A_689 : vector<16xf32>
        %min3A_692 = arith.minimumf %mul3A_690, %mul3A_691 : vector<16xf32>
        %add3A_693 = arith.addf %min3A_675, %min3A_692 : vector<16xf32>
        %add3A_694 = arith.constant 2048 : i32
        %add3A_695 = arith.addi %add3A_694, %add3A_658 : i32
        %get3A_696 = arith.index_cast %add3A_695 : i32 to index
        %get3A_697 = tpu.vector_load %arg7[%get3A_696] {strides = array<i32>} : memref<3072xf32, #tpu.memory_space<vmem>>, vector<16xf32>,
        %sub3A_698 = arith.subf %get3A_697, %gather3A_37 : vector<16xf32>
        %gt3A_699 = arith.constant 0.000000e+00 : f32
        %gt3A_700 = vector.broadcast %gt3A_699 : f32 to vector<16xf32>
        %gt3A_701 = arith.cmpf ogt, %sub3A_698, %gt3A_700 : vector<16xf32>
        %neg3A_702 = arith.constant 0.000000e+00 : f32
        %neg3A_703 = vector.broadcast %neg3A_702 : f32 to vector<16xf32>
        %neg3A_704 = arith.subf %neg3A_703, %get3A_7 : vector<16xf32>
        %select_n3A_705 = arith.select %gt3A_701, %neg3A_704, %get3A_7 : vector<16xi1>, vector<16xf32>
        %add3A_706 = arith.addf %get3A_697, %select_n3A_705 : vector<16xf32>
        %sub3A_707 = arith.subf %add3A_706, %gather3A_37 : vector<16xf32>
        %mul3A_708 = arith.mulf %sub3A_698, %sub3A_698 : vector<16xf32>
        %mul3A_709 = arith.mulf %sub3A_707, %sub3A_707 : vector<16xf32>
        %min3A_710 = arith.minimumf %mul3A_708, %mul3A_709 : vector<16xf32>
        %add3A_711 = arith.addf %add3A_693, %min3A_710 : vector<16xf32>
        %iota3A_712 = tpu.iota {dimensions = array<i32: 0>} : vector<16xi32>
        %add3A_713 = vector.broadcast %add3A_658 : i32 to vector<16xi32>
        %add3A_714 = arith.addi %iota3A_712, %add3A_713 : vector<16xi32>
        %gt3A_715 = arith.constant 2.250000e+02 : f32
        %gt3A_716 = vector.broadcast %gt3A_715 : f32 to vector<16xf32>
        %gt3A_717 = arith.cmpf ogt, %add3A_711, %gt3A_716 : vector<16xf32>
        %jit3A_718 = arith.constant 9.000000e+02 : f32
        %broadcast_in_dim3A_719 = vector.broadcast %jit3A_718 : f32 to vector<16xf32>
        %select_n3A_720 = arith.select %gt3A_717, %broadcast_in_dim3A_719, %add3A_711 : vector<16xi1>, vector<16xf32>
        %eq3A_721 = vector.broadcast %add3A_26 : i32 to vector<16xi32>
        %eq3A_722 = arith.cmpi eq, %add3A_714, %eq3A_721 : vector<16xi32>
        %jit3A_723 = arith.constant 9.000000e+02 : f32
        %broadcast_in_dim3A_724 = vector.broadcast %jit3A_723 : f32 to vector<16xf32>
        %select_n3A_725 = arith.select %eq3A_722, %broadcast_in_dim3A_724, %select_n3A_720 : vector<16xi1>, vector<16xf32>
        %lt3A_726 = vector.broadcast %scan3A_266 : f32 to vector<16xf32>
        %lt3A_727 = arith.cmpf olt, %select_n3A_725, %lt3A_726 : vector<16xf32>
        %swap3A_728 = arith.index_cast %add3A_656 : i32 to index
        %swap3A_729 = tpu.vector_load %arg9[%swap3A_728] masked %lt3A_727 {strides = array<i32>} : memref<184xf32, #tpu.memory_space<vmem>>, vector<16xf32>, vector<16xi1>
        tpu.vector_store %arg9[%swap3A_728], %select_n3A_725 masked %lt3A_727 {strides = array<i32>} : memref<184xf32, #tpu.memory_space<vmem>>, vector<16xf32>, vector<16xi1>
        %swap3A_730 = arith.index_cast %add3A_656 : i32 to index
        %swap3A_731 = tpu.vector_load %arg10[%swap3A_730] masked %lt3A_727 {strides = array<i32>} : memref<184xi32, #tpu.memory_space<vmem>>, vector<16xi32>, vector<16xi1>
        tpu.vector_store %arg10[%swap3A_730], %add3A_714 masked %lt3A_727 {strides = array<i32>} : memref<184xi32, #tpu.memory_space<vmem>>, vector<16xi32>, vector<16xi1>
        %all_reduce_population_count3A_732 = tpu.all_reduce %lt3A_727 {dim = 0 : i64, kind = #tpu.reduction_kind<sum>} : vector<16xi1> -> vector<16xi32>
        %slice3A_733 = vector.extract_strided_slice %all_reduce_population_count3A_732 {offsets = [0], sizes = [1], strides = [1]} : vector<16xi32> to vector<1xi32>
        %squeeze3A_734 = vector.extract %slice3A_733[0] : i32 from vector<1xi32>
        %add3A_735 = arith.addi %add3A_656, %squeeze3A_734 : i32
        %add3A_736 = arith.constant 96 : i32
        %add3A_737 = arith.addi %mul3A_269, %add3A_736 : i32
        %add3A_738 = arith.constant 0 : i32
        %add3A_739 = arith.addi %add3A_738, %add3A_737 : i32
        %get3A_740 = arith.index_cast %add3A_739 : i32 to index
        %get3A_741 = tpu.vector_load %arg7[%get3A_740] {strides = array<i32>} : memref<3072xf32, #tpu.memory_space<vmem>>, vector<16xf32>,
        %sub3A_742 = arith.subf %get3A_741, %gather3A : vector<16xf32>
        %gt3A_743 = arith.constant 0.000000e+00 : f32
        %gt3A_744 = vector.broadcast %gt3A_743 : f32 to vector<16xf32>
        %gt3A_745 = arith.cmpf ogt, %sub3A_742, %gt3A_744 : vector<16xf32>
        %neg3A_746 = arith.constant 0.000000e+00 : f32
        %neg3A_747 = vector.broadcast %neg3A_746 : f32 to vector<16xf32>
        %neg3A_748 = arith.subf %neg3A_747, %get3A_3 : vector<16xf32>
        %select_n3A_749 = arith.select %gt3A_745, %neg3A_748, %get3A_3 : vector<16xi1>, vector<16xf32>
        %add3A_750 = arith.addf %get3A_741, %select_n3A_749 : vector<16xf32>
        %sub3A_751 = arith.subf %add3A_750, %gather3A : vector<16xf32>
        %mul3A_752 = arith.mulf %sub3A_742, %sub3A_742 : vector<16xf32>
        %mul3A_753 = arith.mulf %sub3A_751, %sub3A_751 : vector<16xf32>
        %min3A_754 = arith.minimumf %mul3A_752, %mul3A_753 : vector<16xf32>
        %add3A_755 = arith.constant 1024 : i32
        %add3A_756 = arith.addi %add3A_755, %add3A_737 : i32
        %get3A_757 = arith.index_cast %add3A_756 : i32 to index
        %get3A_758 = tpu.vector_load %arg7[%get3A_757] {strides = array<i32>} : memref<3072xf32, #tpu.memory_space<vmem>>, vector<16xf32>,
        %sub3A_759 = arith.subf %get3A_758, %gather3A_33 : vector<16xf32>
        %gt3A_760 = arith.constant 0.000000e+00 : f32
        %gt3A_761 = vector.broadcast %gt3A_760 : f32 to vector<16xf32>
        %gt3A_762 = arith.cmpf ogt, %sub3A_759, %gt3A_761 : vector<16xf32>
        %neg3A_763 = arith.constant 0.000000e+00 : f32
        %neg3A_764 = vector.broadcast %neg3A_763 : f32 to vector<16xf32>
        %neg3A_765 = arith.subf %neg3A_764, %get3A_5 : vector<16xf32>
        %select_n3A_766 = arith.select %gt3A_762, %neg3A_765, %get3A_5 : vector<16xi1>, vector<16xf32>
        %add3A_767 = arith.addf %get3A_758, %select_n3A_766 : vector<16xf32>
        %sub3A_768 = arith.subf %add3A_767, %gather3A_33 : vector<16xf32>
        %mul3A_769 = arith.mulf %sub3A_759, %sub3A_759 : vector<16xf32>
        %mul3A_770 = arith.mulf %sub3A_768, %sub3A_768 : vector<16xf32>
        %min3A_771 = arith.minimumf %mul3A_769, %mul3A_770 : vector<16xf32>
        %add3A_772 = arith.addf %min3A_754, %min3A_771 : vector<16xf32>
        %add3A_773 = arith.constant 2048 : i32
        %add3A_774 = arith.addi %add3A_773, %add3A_737 : i32
        %get3A_775 = arith.index_cast %add3A_774 : i32 to index
        %get3A_776 = tpu.vector_load %arg7[%get3A_775] {strides = array<i32>} : memref<3072xf32, #tpu.memory_space<vmem>>, vector<16xf32>,
        %sub3A_777 = arith.subf %get3A_776, %gather3A_37 : vector<16xf32>
        %gt3A_778 = arith.constant 0.000000e+00 : f32
        %gt3A_779 = vector.broadcast %gt3A_778 : f32 to vector<16xf32>
        %gt3A_780 = arith.cmpf ogt, %sub3A_777, %gt3A_779 : vector<16xf32>
        %neg3A_781 = arith.constant 0.000000e+00 : f32
        %neg3A_782 = vector.broadcast %neg3A_781 : f32 to vector<16xf32>
        %neg3A_783 = arith.subf %neg3A_782, %get3A_7 : vector<16xf32>
        %select_n3A_784 = arith.select %gt3A_780, %neg3A_783, %get3A_7 : vector<16xi1>, vector<16xf32>
        %add3A_785 = arith.addf %get3A_776, %select_n3A_784 : vector<16xf32>
        %sub3A_786 = arith.subf %add3A_785, %gather3A_37 : vector<16xf32>
        %mul3A_787 = arith.mulf %sub3A_777, %sub3A_777 : vector<16xf32>
        %mul3A_788 = arith.mulf %sub3A_786, %sub3A_786 : vector<16xf32>
        %min3A_789 = arith.minimumf %mul3A_787, %mul3A_788 : vector<16xf32>
        %add3A_790 = arith.addf %add3A_772, %min3A_789 : vector<16xf32>
        %iota3A_791 = tpu.iota {dimensions = array<i32: 0>} : vector<16xi32>
        %add3A_792 = vector.broadcast %add3A_737 : i32 to vector<16xi32>
        %add3A_793 = arith.addi %iota3A_791, %add3A_792 : vector<16xi32>
        %gt3A_794 = arith.constant 2.250000e+02 : f32
        %gt3A_795 = vector.broadcast %gt3A_794 : f32 to vector<16xf32>
        %gt3A_796 = arith.cmpf ogt, %add3A_790, %gt3A_795 : vector<16xf32>
        %jit3A_797 = arith.constant 9.000000e+02 : f32
        %broadcast_in_dim3A_798 = vector.broadcast %jit3A_797 : f32 to vector<16xf32>
        %select_n3A_799 = arith.select %gt3A_796, %broadcast_in_dim3A_798, %add3A_790 : vector<16xi1>, vector<16xf32>
        %eq3A_800 = vector.broadcast %add3A_26 : i32 to vector<16xi32>
        %eq3A_801 = arith.cmpi eq, %add3A_793, %eq3A_800 : vector<16xi32>
        %jit3A_802 = arith.constant 9.000000e+02 : f32
        %broadcast_in_dim3A_803 = vector.broadcast %jit3A_802 : f32 to vector<16xf32>
        %select_n3A_804 = arith.select %eq3A_801, %broadcast_in_dim3A_803, %select_n3A_799 : vector<16xi1>, vector<16xf32>
        %lt3A_805 = vector.broadcast %scan3A_266 : f32 to vector<16xf32>
        %lt3A_806 = arith.cmpf olt, %select_n3A_804, %lt3A_805 : vector<16xf32>
        %swap3A_807 = arith.index_cast %add3A_735 : i32 to index
        %swap3A_808 = tpu.vector_load %arg9[%swap3A_807] masked %lt3A_806 {strides = array<i32>} : memref<184xf32, #tpu.memory_space<vmem>>, vector<16xf32>, vector<16xi1>
        tpu.vector_store %arg9[%swap3A_807], %select_n3A_804 masked %lt3A_806 {strides = array<i32>} : memref<184xf32, #tpu.memory_space<vmem>>, vector<16xf32>, vector<16xi1>
        %swap3A_809 = arith.index_cast %add3A_735 : i32 to index
        %swap3A_810 = tpu.vector_load %arg10[%swap3A_809] masked %lt3A_806 {strides = array<i32>} : memref<184xi32, #tpu.memory_space<vmem>>, vector<16xi32>, vector<16xi1>
        tpu.vector_store %arg10[%swap3A_809], %add3A_793 masked %lt3A_806 {strides = array<i32>} : memref<184xi32, #tpu.memory_space<vmem>>, vector<16xi32>, vector<16xi1>
        %all_reduce_population_count3A_811 = tpu.all_reduce %lt3A_806 {dim = 0 : i64, kind = #tpu.reduction_kind<sum>} : vector<16xi1> -> vector<16xi32>
        %slice3A_812 = vector.extract_strided_slice %all_reduce_population_count3A_811 {offsets = [0], sizes = [1], strides = [1]} : vector<16xi32> to vector<1xi32>
        %squeeze3A_813 = vector.extract %slice3A_812[0] : i32 from vector<1xi32>
        %add3A_814 = arith.addi %add3A_735, %squeeze3A_813 : i32
        %add3A_815 = arith.constant 112 : i32
        %add3A_816 = arith.addi %mul3A_269, %add3A_815 : i32
        %add3A_817 = arith.constant 0 : i32
        %add3A_818 = arith.addi %add3A_817, %add3A_816 : i32
        %get3A_819 = arith.index_cast %add3A_818 : i32 to index
        %get3A_820 = tpu.vector_load %arg7[%get3A_819] {strides = array<i32>} : memref<3072xf32, #tpu.memory_space<vmem>>, vector<16xf32>,
        %sub3A_821 = arith.subf %get3A_820, %gather3A : vector<16xf32>
        %gt3A_822 = arith.constant 0.000000e+00 : f32
        %gt3A_823 = vector.broadcast %gt3A_822 : f32 to vector<16xf32>
        %gt3A_824 = arith.cmpf ogt, %sub3A_821, %gt3A_823 : vector<16xf32>
        %neg3A_825 = arith.constant 0.000000e+00 : f32
        %neg3A_826 = vector.broadcast %neg3A_825 : f32 to vector<16xf32>
        %neg3A_827 = arith.subf %neg3A_826, %get3A_3 : vector<16xf32>
        %select_n3A_828 = arith.select %gt3A_824, %neg3A_827, %get3A_3 : vector<16xi1>, vector<16xf32>
        %add3A_829 = arith.addf %get3A_820, %select_n3A_828 : vector<16xf32>
        %sub3A_830 = arith.subf %add3A_829, %gather3A : vector<16xf32>
        %mul3A_831 = arith.mulf %sub3A_821, %sub3A_821 : vector<16xf32>
        %mul3A_832 = arith.mulf %sub3A_830, %sub3A_830 : vector<16xf32>
        %min3A_833 = arith.minimumf %mul3A_831, %mul3A_832 : vector<16xf32>
        %add3A_834 = arith.constant 1024 : i32
        %add3A_835 = arith.addi %add3A_834, %add3A_816 : i32
        %get3A_836 = arith.index_cast %add3A_835 : i32 to index
        %get3A_837 = tpu.vector_load %arg7[%get3A_836] {strides = array<i32>} : memref<3072xf32, #tpu.memory_space<vmem>>, vector<16xf32>,
        %sub3A_838 = arith.subf %get3A_837, %gather3A_33 : vector<16xf32>
        %gt3A_839 = arith.constant 0.000000e+00 : f32
        %gt3A_840 = vector.broadcast %gt3A_839 : f32 to vector<16xf32>
        %gt3A_841 = arith.cmpf ogt, %sub3A_838, %gt3A_840 : vector<16xf32>
        %neg3A_842 = arith.constant 0.000000e+00 : f32
        %neg3A_843 = vector.broadcast %neg3A_842 : f32 to vector<16xf32>
        %neg3A_844 = arith.subf %neg3A_843, %get3A_5 : vector<16xf32>
        %select_n3A_845 = arith.select %gt3A_841, %neg3A_844, %get3A_5 : vector<16xi1>, vector<16xf32>
        %add3A_846 = arith.addf %get3A_837, %select_n3A_845 : vector<16xf32>
        %sub3A_847 = arith.subf %add3A_846, %gather3A_33 : vector<16xf32>
        %mul3A_848 = arith.mulf %sub3A_838, %sub3A_838 : vector<16xf32>
        %mul3A_849 = arith.mulf %sub3A_847, %sub3A_847 : vector<16xf32>
        %min3A_850 = arith.minimumf %mul3A_848, %mul3A_849 : vector<16xf32>
        %add3A_851 = arith.addf %min3A_833, %min3A_850 : vector<16xf32>
        %add3A_852 = arith.constant 2048 : i32
        %add3A_853 = arith.addi %add3A_852, %add3A_816 : i32
        %get3A_854 = arith.index_cast %add3A_853 : i32 to index
        %get3A_855 = tpu.vector_load %arg7[%get3A_854] {strides = array<i32>} : memref<3072xf32, #tpu.memory_space<vmem>>, vector<16xf32>,
        %sub3A_856 = arith.subf %get3A_855, %gather3A_37 : vector<16xf32>
        %gt3A_857 = arith.constant 0.000000e+00 : f32
        %gt3A_858 = vector.broadcast %gt3A_857 : f32 to vector<16xf32>
        %gt3A_859 = arith.cmpf ogt, %sub3A_856, %gt3A_858 : vector<16xf32>
        %neg3A_860 = arith.constant 0.000000e+00 : f32
        %neg3A_861 = vector.broadcast %neg3A_860 : f32 to vector<16xf32>
        %neg3A_862 = arith.subf %neg3A_861, %get3A_7 : vector<16xf32>
        %select_n3A_863 = arith.select %gt3A_859, %neg3A_862, %get3A_7 : vector<16xi1>, vector<16xf32>
        %add3A_864 = arith.addf %get3A_855, %select_n3A_863 : vector<16xf32>
        %sub3A_865 = arith.subf %add3A_864, %gather3A_37 : vector<16xf32>
        %mul3A_866 = arith.mulf %sub3A_856, %sub3A_856 : vector<16xf32>
        %mul3A_867 = arith.mulf %sub3A_865, %sub3A_865 : vector<16xf32>
        %min3A_868 = arith.minimumf %mul3A_866, %mul3A_867 : vector<16xf32>
        %add3A_869 = arith.addf %add3A_851, %min3A_868 : vector<16xf32>
        %iota3A_870 = tpu.iota {dimensions = array<i32: 0>} : vector<16xi32>
        %add3A_871 = vector.broadcast %add3A_816 : i32 to vector<16xi32>
        %add3A_872 = arith.addi %iota3A_870, %add3A_871 : vector<16xi32>
        %gt3A_873 = arith.constant 2.250000e+02 : f32
        %gt3A_874 = vector.broadcast %gt3A_873 : f32 to vector<16xf32>
        %gt3A_875 = arith.cmpf ogt, %add3A_869, %gt3A_874 : vector<16xf32>
        %jit3A_876 = arith.constant 9.000000e+02 : f32
        %broadcast_in_dim3A_877 = vector.broadcast %jit3A_876 : f32 to vector<16xf32>
        %select_n3A_878 = arith.select %gt3A_875, %broadcast_in_dim3A_877, %add3A_869 : vector<16xi1>, vector<16xf32>
        %eq3A_879 = vector.broadcast %add3A_26 : i32 to vector<16xi32>
        %eq3A_880 = arith.cmpi eq, %add3A_872, %eq3A_879 : vector<16xi32>
        %jit3A_881 = arith.constant 9.000000e+02 : f32
        %broadcast_in_dim3A_882 = vector.broadcast %jit3A_881 : f32 to vector<16xf32>
        %select_n3A_883 = arith.select %eq3A_880, %broadcast_in_dim3A_882, %select_n3A_878 : vector<16xi1>, vector<16xf32>
        %lt3A_884 = vector.broadcast %scan3A_266 : f32 to vector<16xf32>
        %lt3A_885 = arith.cmpf olt, %select_n3A_883, %lt3A_884 : vector<16xf32>
        %swap3A_886 = arith.index_cast %add3A_814 : i32 to index
        %swap3A_887 = tpu.vector_load %arg9[%swap3A_886] masked %lt3A_885 {strides = array<i32>} : memref<184xf32, #tpu.memory_space<vmem>>, vector<16xf32>, vector<16xi1>
        tpu.vector_store %arg9[%swap3A_886], %select_n3A_883 masked %lt3A_885 {strides = array<i32>} : memref<184xf32, #tpu.memory_space<vmem>>, vector<16xf32>, vector<16xi1>
        %swap3A_888 = arith.index_cast %add3A_814 : i32 to index
        %swap3A_889 = tpu.vector_load %arg10[%swap3A_888] masked %lt3A_885 {strides = array<i32>} : memref<184xi32, #tpu.memory_space<vmem>>, vector<16xi32>, vector<16xi1>
        tpu.vector_store %arg10[%swap3A_888], %add3A_872 masked %lt3A_885 {strides = array<i32>} : memref<184xi32, #tpu.memory_space<vmem>>, vector<16xi32>, vector<16xi1>
        %all_reduce_population_count3A_890 = tpu.all_reduce %lt3A_885 {dim = 0 : i64, kind = #tpu.reduction_kind<sum>} : vector<16xi1> -> vector<16xi32>
        %slice3A_891 = vector.extract_strided_slice %all_reduce_population_count3A_890 {offsets = [0], sizes = [1], strides = [1]} : vector<16xi32> to vector<1xi32>
        %squeeze3A_892 = vector.extract %slice3A_891[0] : i32 from vector<1xi32>
        %add3A_893 = arith.addi %add3A_814, %squeeze3A_892 : i32
        %ge3A = arith.constant 48 : i32
        %ge3A_894 = arith.cmpi sge, %add3A_893, %ge3A : i32
        %convert_element_type3A = arith.extui %ge3A_894 : i1 to i32
        %cond3A = arith.constant 0 : i32
        %cond3A_895 = arith.cmpi ne, %convert_element_type3A, %cond3A : i32
        %cond3A_896:6 = scf.if %cond3A_895 -> (vector<16xf32>, vector<16xi32>, vector<16xf32>, vector<16xi32>, f32, i32) {
          %broadcast_in_dim3A_897 = vector.broadcast %add3A_893 : i32 to vector<16xi32>
          %add3A_898 = arith.constant 15 : i32
          %add3A_899 = arith.addi %add3A_893, %add3A_898 : i32
          %jit3A_900 = arith.constant 16 : i32
          %div3A_901 = arith.divsi %add3A_899, %jit3A_900 : i32
          %sign3A_902 = arith.constant 0 : i32
          %sign3A_903 = arith.cmpi sgt, %add3A_899, %sign3A_902 : i32
          %sign3A_904 = arith.extui %sign3A_903 : i1 to i32
          %sign3A_905 = arith.constant 0 : i32
          %sign3A_906 = arith.cmpi slt, %add3A_899, %sign3A_905 : i32
          %sign3A_907 = arith.extui %sign3A_906 : i1 to i32
          %sign3A_908 = arith.subi %sign3A_904, %sign3A_907 : i32
          %sign3A_909 = arith.constant 0 : i32
          %sign3A_910 = arith.cmpi sgt, %jit3A_900, %sign3A_909 : i32
          %sign3A_911 = arith.extui %sign3A_910 : i1 to i32
          %sign3A_912 = arith.constant 0 : i32
          %sign3A_913 = arith.cmpi slt, %jit3A_900, %sign3A_912 : i32
          %sign3A_914 = arith.extui %sign3A_913 : i1 to i32
          %sign3A_915 = arith.subi %sign3A_911, %sign3A_914 : i32
          %ne3A_916 = arith.cmpi ne, %sign3A_908, %sign3A_915 : i32
          %rem3A_917 = arith.remsi %add3A_899, %jit3A_900 : i32
          %ne3A_918 = arith.constant 0 : i32
          %ne3A_919 = arith.cmpi ne, %rem3A_917, %ne3A_918 : i32
          %and3A_920 = arith.andi %ne3A_916, %ne3A_919 : i1
          %sub3A_921 = arith.constant 1 : i32
          %sub3A_922 = arith.subi %div3A_901, %sub3A_921 : i32
          %select_n3A_923 = arith.select %and3A_920, %sub3A_922, %div3A_901 : i32
          %while3A_924 = arith.constant 0 : i32
          %while3A_925 = arith.subi %select_n3A_923, %while3A_924 : i32
          %while3A_926 = arith.addi %while3A_924, %while3A_925 : i32
          %while3A_927 = arith.constant 1 : i32
          %while3A_928 = arith.divsi %while3A_925, %while3A_927 : i32
          %while3A_929 = arith.muli %while3A_928, %while3A_927 : i32
          %while3A_930 = arith.addi %while3A_924, %while3A_929 : i32
          %while3A_931 = arith.constant 1 : i32
          %while3A_932:4 = scf.for %while3A_940 = %while3A_924 to %while3A_930 step %while3A_931 iter_args(%while3A_941 = %scan3A_262, %while3A_942 = %scan3A_263, %while3A_943 = %scan3A_264, %while3A_944 = %scan3A_265) -> (vector<16xf32>, vector<16xi32>, vector<16xf32>, vector<16xi32>)  : i32 {
            %mul3A_945 = arith.constant 16 : i32
            %mul3A_946 = arith.muli %while3A_940, %mul3A_945 : i32
            %get3A_947 = arith.index_cast %mul3A_946 : i32 to index
            %get3A_948 = tpu.vector_load %arg9[%get3A_947] {strides = array<i32>} : memref<184xf32, #tpu.memory_space<vmem>>, vector<16xf32>,
            %get3A_949 = arith.index_cast %mul3A_946 : i32 to index
            %get3A_950 = tpu.vector_load %arg10[%get3A_949] {strides = array<i32>} : memref<184xi32, #tpu.memory_space<vmem>>, vector<16xi32>,
            %iota3A_951 = tpu.iota {dimensions = array<i32: 0>} : vector<16xi32>
            %add3A_952 = vector.broadcast %mul3A_946 : i32 to vector<16xi32>
            %add3A_953 = arith.addi %iota3A_951, %add3A_952 : vector<16xi32>
            %lt3A_954 = arith.cmpi slt, %add3A_953, %broadcast_in_dim3A_897 : vector<16xi32>
            %jit3A_955 = arith.constant 3.000000e+38 : f32
            %broadcast_in_dim3A_956 = vector.broadcast %jit3A_955 : f32 to vector<16xf32>
            %select_n3A_957 = arith.select %lt3A_954, %get3A_948, %broadcast_in_dim3A_956 : vector<16xi1>, vector<16xf32>
            %masked_sort3A = arith.constant dense<true> : vector<16xi1>
            %masked_sort3A_958, %masked_sort3A_959, %masked_sort3A_960 = tpu.sort %select_n3A_957, %get3A_950 masked %masked_sort3A : (vector<16xf32>, vector<16xi32>, vector<16xi1>) -> (vector<16xi1>, vector<16xf32>, vector<16xi32>)
            %rev3A = arith.constant 15 : i32
            %rev3A_961 = vector.broadcast %rev3A : i32 to vector<16xi32>
            %rev3A_962 = tpu.iota {dimensions = array<i32: 0>} : vector<16xi32>
            %rev3A_963 = arith.subi %rev3A_961, %rev3A_962 : vector<16xi32>
            %rev3A_964 = tpu.dynamic_gather %masked_sort3A_959[%rev3A_963] in [0] : vector<16xf32>, vector<16xi32> -> vector<16xf32>
            %rev3A_965 = arith.constant 15 : i32
            %rev3A_966 = vector.broadcast %rev3A_965 : i32 to vector<16xi32>
            %rev3A_967 = tpu.iota {dimensions = array<i32: 0>} : vector<16xi32>
            %rev3A_968 = arith.subi %rev3A_966, %rev3A_967 : vector<16xi32>
            %rev3A_969 = tpu.dynamic_gather %masked_sort3A_960[%rev3A_968] in [0] : vector<16xi32>, vector<16xi32> -> vector<16xi32>
            %le3A = arith.cmpf ole, %while3A_943, %rev3A_964 : vector<16xf32>
            %select_n3A_970 = arith.select %le3A, %while3A_943, %rev3A_964 : vector<16xi1>, vector<16xf32>
            %select_n3A_971 = arith.select %le3A, %while3A_944, %rev3A_969 : vector<16xi1>, vector<16xi32>
            %masked_sort3A_972 = arith.constant dense<true> : vector<16xi1>
            %masked_sort3A_973, %masked_sort3A_974, %masked_sort3A_975 = tpu.sort %select_n3A_970, %select_n3A_971 masked %masked_sort3A_972 : (vector<16xf32>, vector<16xi32>, vector<16xi1>) -> (vector<16xi1>, vector<16xf32>, vector<16xi32>)
            %rev3A_976 = arith.constant 15 : i32
            %rev3A_977 = vector.broadcast %rev3A_976 : i32 to vector<16xi32>
            %rev3A_978 = tpu.iota {dimensions = array<i32: 0>} : vector<16xi32>
            %rev3A_979 = arith.subi %rev3A_977, %rev3A_978 : vector<16xi32>
            %rev3A_980 = tpu.dynamic_gather %masked_sort3A_974[%rev3A_979] in [0] : vector<16xf32>, vector<16xi32> -> vector<16xf32>
            %rev3A_981 = arith.constant 15 : i32
            %rev3A_982 = vector.broadcast %rev3A_981 : i32 to vector<16xi32>
            %rev3A_983 = tpu.iota {dimensions = array<i32: 0>} : vector<16xi32>
            %rev3A_984 = arith.subi %rev3A_982, %rev3A_983 : vector<16xi32>
            %rev3A_985 = tpu.dynamic_gather %masked_sort3A_975[%rev3A_984] in [0] : vector<16xi32>, vector<16xi32> -> vector<16xi32>
            %le3A_986 = arith.cmpf ole, %while3A_941, %rev3A_980 : vector<16xf32>
            %select_n3A_987 = arith.select %le3A_986, %while3A_941, %rev3A_980 : vector<16xi1>, vector<16xf32>
            %select_n3A_988 = arith.select %le3A_986, %while3A_942, %rev3A_985 : vector<16xi1>, vector<16xi32>
            %select_n3A_989 = arith.select %le3A_986, %rev3A_980, %while3A_941 : vector<16xi1>, vector<16xf32>
            %select_n3A_990 = arith.select %le3A_986, %rev3A_985, %while3A_942 : vector<16xi1>, vector<16xi32>
            %masked_sort3A_991 = arith.constant dense<true> : vector<16xi1>
            %masked_sort3A_992, %masked_sort3A_993, %masked_sort3A_994 = tpu.sort %select_n3A_987, %select_n3A_988 masked %masked_sort3A_991 : (vector<16xf32>, vector<16xi32>, vector<16xi1>) -> (vector<16xi1>, vector<16xf32>, vector<16xi32>)
            %masked_sort3A_995 = arith.constant dense<true> : vector<16xi1>
            %masked_sort3A_996, %masked_sort3A_997, %masked_sort3A_998 = tpu.sort %select_n3A_989, %select_n3A_990 masked %masked_sort3A_995 : (vector<16xf32>, vector<16xi32>, vector<16xi1>) -> (vector<16xi1>, vector<16xf32>, vector<16xi32>)
            scf.yield %masked_sort3A_993, %masked_sort3A_994, %masked_sort3A_997, %masked_sort3A_998 : vector<16xf32>, vector<16xi32>, vector<16xf32>, vector<16xi32>
          }
          %while3A_933 = arith.constant 1 : i32
          %while3A_934:4 = scf.for %while3A_940 = %while3A_930 to %while3A_926 step %while3A_933 iter_args(%while3A_941 = %while3A_932#0, %while3A_942 = %while3A_932#1, %while3A_943 = %while3A_932#2, %while3A_944 = %while3A_932#3) -> (vector<16xf32>, vector<16xi32>, vector<16xf32>, vector<16xi32>)  : i32 {
            %mul3A_945 = arith.constant 16 : i32
            %mul3A_946 = arith.muli %while3A_940, %mul3A_945 : i32
            %get3A_947 = arith.index_cast %mul3A_946 : i32 to index
            %get3A_948 = tpu.vector_load %arg9[%get3A_947] {strides = array<i32>} : memref<184xf32, #tpu.memory_space<vmem>>, vector<16xf32>,
            %get3A_949 = arith.index_cast %mul3A_946 : i32 to index
            %get3A_950 = tpu.vector_load %arg10[%get3A_949] {strides = array<i32>} : memref<184xi32, #tpu.memory_space<vmem>>, vector<16xi32>,
            %iota3A_951 = tpu.iota {dimensions = array<i32: 0>} : vector<16xi32>
            %add3A_952 = vector.broadcast %mul3A_946 : i32 to vector<16xi32>
            %add3A_953 = arith.addi %iota3A_951, %add3A_952 : vector<16xi32>
            %lt3A_954 = arith.cmpi slt, %add3A_953, %broadcast_in_dim3A_897 : vector<16xi32>
            %jit3A_955 = arith.constant 3.000000e+38 : f32
            %broadcast_in_dim3A_956 = vector.broadcast %jit3A_955 : f32 to vector<16xf32>
            %select_n3A_957 = arith.select %lt3A_954, %get3A_948, %broadcast_in_dim3A_956 : vector<16xi1>, vector<16xf32>
            %masked_sort3A = arith.constant dense<true> : vector<16xi1>
            %masked_sort3A_958, %masked_sort3A_959, %masked_sort3A_960 = tpu.sort %select_n3A_957, %get3A_950 masked %masked_sort3A : (vector<16xf32>, vector<16xi32>, vector<16xi1>) -> (vector<16xi1>, vector<16xf32>, vector<16xi32>)
            %rev3A = arith.constant 15 : i32
            %rev3A_961 = vector.broadcast %rev3A : i32 to vector<16xi32>
            %rev3A_962 = tpu.iota {dimensions = array<i32: 0>} : vector<16xi32>
            %rev3A_963 = arith.subi %rev3A_961, %rev3A_962 : vector<16xi32>
            %rev3A_964 = tpu.dynamic_gather %masked_sort3A_959[%rev3A_963] in [0] : vector<16xf32>, vector<16xi32> -> vector<16xf32>
            %rev3A_965 = arith.constant 15 : i32
            %rev3A_966 = vector.broadcast %rev3A_965 : i32 to vector<16xi32>
            %rev3A_967 = tpu.iota {dimensions = array<i32: 0>} : vector<16xi32>
            %rev3A_968 = arith.subi %rev3A_966, %rev3A_967 : vector<16xi32>
            %rev3A_969 = tpu.dynamic_gather %masked_sort3A_960[%rev3A_968] in [0] : vector<16xi32>, vector<16xi32> -> vector<16xi32>
            %le3A = arith.cmpf ole, %while3A_943, %rev3A_964 : vector<16xf32>
            %select_n3A_970 = arith.select %le3A, %while3A_943, %rev3A_964 : vector<16xi1>, vector<16xf32>
            %select_n3A_971 = arith.select %le3A, %while3A_944, %rev3A_969 : vector<16xi1>, vector<16xi32>
            %masked_sort3A_972 = arith.constant dense<true> : vector<16xi1>
            %masked_sort3A_973, %masked_sort3A_974, %masked_sort3A_975 = tpu.sort %select_n3A_970, %select_n3A_971 masked %masked_sort3A_972 : (vector<16xf32>, vector<16xi32>, vector<16xi1>) -> (vector<16xi1>, vector<16xf32>, vector<16xi32>)
            %rev3A_976 = arith.constant 15 : i32
            %rev3A_977 = vector.broadcast %rev3A_976 : i32 to vector<16xi32>
            %rev3A_978 = tpu.iota {dimensions = array<i32: 0>} : vector<16xi32>
            %rev3A_979 = arith.subi %rev3A_977, %rev3A_978 : vector<16xi32>
            %rev3A_980 = tpu.dynamic_gather %masked_sort3A_974[%rev3A_979] in [0] : vector<16xf32>, vector<16xi32> -> vector<16xf32>
            %rev3A_981 = arith.constant 15 : i32
            %rev3A_982 = vector.broadcast %rev3A_981 : i32 to vector<16xi32>
            %rev3A_983 = tpu.iota {dimensions = array<i32: 0>} : vector<16xi32>
            %rev3A_984 = arith.subi %rev3A_982, %rev3A_983 : vector<16xi32>
            %rev3A_985 = tpu.dynamic_gather %masked_sort3A_975[%rev3A_984] in [0] : vector<16xi32>, vector<16xi32> -> vector<16xi32>
            %le3A_986 = arith.cmpf ole, %while3A_941, %rev3A_980 : vector<16xf32>
            %select_n3A_987 = arith.select %le3A_986, %while3A_941, %rev3A_980 : vector<16xi1>, vector<16xf32>
            %select_n3A_988 = arith.select %le3A_986, %while3A_942, %rev3A_985 : vector<16xi1>, vector<16xi32>
            %select_n3A_989 = arith.select %le3A_986, %rev3A_980, %while3A_941 : vector<16xi1>, vector<16xf32>
            %select_n3A_990 = arith.select %le3A_986, %rev3A_985, %while3A_942 : vector<16xi1>, vector<16xi32>
            %masked_sort3A_991 = arith.constant dense<true> : vector<16xi1>
            %masked_sort3A_992, %masked_sort3A_993, %masked_sort3A_994 = tpu.sort %select_n3A_987, %select_n3A_988 masked %masked_sort3A_991 : (vector<16xf32>, vector<16xi32>, vector<16xi1>) -> (vector<16xi1>, vector<16xf32>, vector<16xi32>)
            %masked_sort3A_995 = arith.constant dense<true> : vector<16xi1>
            %masked_sort3A_996, %masked_sort3A_997, %masked_sort3A_998 = tpu.sort %select_n3A_989, %select_n3A_990 masked %masked_sort3A_995 : (vector<16xf32>, vector<16xi32>, vector<16xi1>) -> (vector<16xi1>, vector<16xf32>, vector<16xi32>)
            scf.yield %masked_sort3A_993, %masked_sort3A_994, %masked_sort3A_997, %masked_sort3A_998 : vector<16xf32>, vector<16xi32>, vector<16xf32>, vector<16xi32>
          }
          %reduce_max3A_935 = arith.constant true
          %reduce_max3A_936 = vector.broadcast %reduce_max3A_935 : i1 to vector<16xi1>
          %reduce_max3A_937 = tpu.scan <max>, %while3A_934#2 masked %reduce_max3A_936 : vector<16xf32>, vector<16xi1> -> vector<16xf32>
          %reduce_max3A_938 = vector.extract %reduce_max3A_937[15] : f32 from vector<16xf32>
          %cond3A_939 = arith.constant 0 : i32
          scf.yield %while3A_934#0, %while3A_934#1, %while3A_934#2, %while3A_934#3, %reduce_max3A_938, %cond3A_939 : vector<16xf32>, vector<16xi32>, vector<16xf32>, vector<16xi32>, f32, i32
        } else {
          scf.yield %scan3A_262, %scan3A_263, %scan3A_264, %scan3A_265, %scan3A_266, %add3A_893 : vector<16xf32>, vector<16xi32>, vector<16xf32>, vector<16xi32>, f32, i32
        }
        scf.yield %cond3A_896#0, %cond3A_896#1, %cond3A_896#2, %cond3A_896#3, %cond3A_896#4, %cond3A_896#5 : vector<16xf32>, vector<16xi32>, vector<16xf32>, vector<16xi32>, f32, i32
      }
      %scan3A_53 = arith.constant 8 : i32
      %broadcast_in_dim3A_54 = vector.broadcast %scan3A_52#5 : i32 to vector<16xi32>
      %add3A_55 = arith.constant 15 : i32
      %add3A_56 = arith.addi %scan3A_52#5, %add3A_55 : i32
      %jit3A = arith.constant 16 : i32
      %div3A = arith.divsi %add3A_56, %jit3A : i32
      %sign3A = arith.constant 0 : i32
      %sign3A_57 = arith.cmpi sgt, %add3A_56, %sign3A : i32
      %sign3A_58 = arith.extui %sign3A_57 : i1 to i32
      %sign3A_59 = arith.constant 0 : i32
      %sign3A_60 = arith.cmpi slt, %add3A_56, %sign3A_59 : i32
      %sign3A_61 = arith.extui %sign3A_60 : i1 to i32
      %sign3A_62 = arith.subi %sign3A_58, %sign3A_61 : i32
      %sign3A_63 = arith.constant 0 : i32
      %sign3A_64 = arith.cmpi sgt, %jit3A, %sign3A_63 : i32
      %sign3A_65 = arith.extui %sign3A_64 : i1 to i32
      %sign3A_66 = arith.constant 0 : i32
      %sign3A_67 = arith.cmpi slt, %jit3A, %sign3A_66 : i32
      %sign3A_68 = arith.extui %sign3A_67 : i1 to i32
      %sign3A_69 = arith.subi %sign3A_65, %sign3A_68 : i32
      %ne3A = arith.cmpi ne, %sign3A_62, %sign3A_69 : i32
      %rem3A = arith.remsi %add3A_56, %jit3A : i32
      %ne3A_70 = arith.constant 0 : i32
      %ne3A_71 = arith.cmpi ne, %rem3A, %ne3A_70 : i32
      %and3A = arith.andi %ne3A, %ne3A_71 : i1
      %sub3A = arith.constant 1 : i32
      %sub3A_72 = arith.subi %div3A, %sub3A : i32
      %select_n3A = arith.select %and3A, %sub3A_72, %div3A : i32
      %while3A = arith.constant 0 : i32
      %while3A_73 = arith.subi %select_n3A, %while3A : i32
      %while3A_74 = arith.addi %while3A, %while3A_73 : i32
      %while3A_75 = arith.constant 1 : i32
      %while3A_76 = arith.divsi %while3A_73, %while3A_75 : i32
      %while3A_77 = arith.muli %while3A_76, %while3A_75 : i32
      %while3A_78 = arith.addi %while3A, %while3A_77 : i32
      %while3A_79 = arith.constant 1 : i32
      %while3A_80:4 = scf.for %while3A_261 = %while3A to %while3A_78 step %while3A_79 iter_args(%while3A_262 = %scan3A_52#0, %while3A_263 = %scan3A_52#1, %while3A_264 = %scan3A_52#2, %while3A_265 = %scan3A_52#3) -> (vector<16xf32>, vector<16xi32>, vector<16xf32>, vector<16xi32>)  : i32 {
        %mul3A_266 = arith.constant 16 : i32
        %mul3A_267 = arith.muli %while3A_261, %mul3A_266 : i32
        %get3A_268 = arith.index_cast %mul3A_267 : i32 to index
        %get3A_269 = tpu.vector_load %arg9[%get3A_268] {strides = array<i32>} : memref<184xf32, #tpu.memory_space<vmem>>, vector<16xf32>,
        %get3A_270 = arith.index_cast %mul3A_267 : i32 to index
        %get3A_271 = tpu.vector_load %arg10[%get3A_270] {strides = array<i32>} : memref<184xi32, #tpu.memory_space<vmem>>, vector<16xi32>,
        %iota3A = tpu.iota {dimensions = array<i32: 0>} : vector<16xi32>
        %add3A_272 = vector.broadcast %mul3A_267 : i32 to vector<16xi32>
        %add3A_273 = arith.addi %iota3A, %add3A_272 : vector<16xi32>
        %lt3A_274 = arith.cmpi slt, %add3A_273, %broadcast_in_dim3A_54 : vector<16xi32>
        %jit3A_275 = arith.constant 3.000000e+38 : f32
        %broadcast_in_dim3A_276 = vector.broadcast %jit3A_275 : f32 to vector<16xf32>
        %select_n3A_277 = arith.select %lt3A_274, %get3A_269, %broadcast_in_dim3A_276 : vector<16xi1>, vector<16xf32>
        %masked_sort3A = arith.constant dense<true> : vector<16xi1>
        %masked_sort3A_278, %masked_sort3A_279, %masked_sort3A_280 = tpu.sort %select_n3A_277, %get3A_271 masked %masked_sort3A : (vector<16xf32>, vector<16xi32>, vector<16xi1>) -> (vector<16xi1>, vector<16xf32>, vector<16xi32>)
        %rev3A = arith.constant 15 : i32
        %rev3A_281 = vector.broadcast %rev3A : i32 to vector<16xi32>
        %rev3A_282 = tpu.iota {dimensions = array<i32: 0>} : vector<16xi32>
        %rev3A_283 = arith.subi %rev3A_281, %rev3A_282 : vector<16xi32>
        %rev3A_284 = tpu.dynamic_gather %masked_sort3A_279[%rev3A_283] in [0] : vector<16xf32>, vector<16xi32> -> vector<16xf32>
        %rev3A_285 = arith.constant 15 : i32
        %rev3A_286 = vector.broadcast %rev3A_285 : i32 to vector<16xi32>
        %rev3A_287 = tpu.iota {dimensions = array<i32: 0>} : vector<16xi32>
        %rev3A_288 = arith.subi %rev3A_286, %rev3A_287 : vector<16xi32>
        %rev3A_289 = tpu.dynamic_gather %masked_sort3A_280[%rev3A_288] in [0] : vector<16xi32>, vector<16xi32> -> vector<16xi32>
        %le3A = arith.cmpf ole, %while3A_264, %rev3A_284 : vector<16xf32>
        %select_n3A_290 = arith.select %le3A, %while3A_264, %rev3A_284 : vector<16xi1>, vector<16xf32>
        %select_n3A_291 = arith.select %le3A, %while3A_265, %rev3A_289 : vector<16xi1>, vector<16xi32>
        %masked_sort3A_292 = arith.constant dense<true> : vector<16xi1>
        %masked_sort3A_293, %masked_sort3A_294, %masked_sort3A_295 = tpu.sort %select_n3A_290, %select_n3A_291 masked %masked_sort3A_292 : (vector<16xf32>, vector<16xi32>, vector<16xi1>) -> (vector<16xi1>, vector<16xf32>, vector<16xi32>)
        %rev3A_296 = arith.constant 15 : i32
        %rev3A_297 = vector.broadcast %rev3A_296 : i32 to vector<16xi32>
        %rev3A_298 = tpu.iota {dimensions = array<i32: 0>} : vector<16xi32>
        %rev3A_299 = arith.subi %rev3A_297, %rev3A_298 : vector<16xi32>
        %rev3A_300 = tpu.dynamic_gather %masked_sort3A_294[%rev3A_299] in [0] : vector<16xf32>, vector<16xi32> -> vector<16xf32>
        %rev3A_301 = arith.constant 15 : i32
        %rev3A_302 = vector.broadcast %rev3A_301 : i32 to vector<16xi32>
        %rev3A_303 = tpu.iota {dimensions = array<i32: 0>} : vector<16xi32>
        %rev3A_304 = arith.subi %rev3A_302, %rev3A_303 : vector<16xi32>
        %rev3A_305 = tpu.dynamic_gather %masked_sort3A_295[%rev3A_304] in [0] : vector<16xi32>, vector<16xi32> -> vector<16xi32>
        %le3A_306 = arith.cmpf ole, %while3A_262, %rev3A_300 : vector<16xf32>
        %select_n3A_307 = arith.select %le3A_306, %while3A_262, %rev3A_300 : vector<16xi1>, vector<16xf32>
        %select_n3A_308 = arith.select %le3A_306, %while3A_263, %rev3A_305 : vector<16xi1>, vector<16xi32>
        %select_n3A_309 = arith.select %le3A_306, %rev3A_300, %while3A_262 : vector<16xi1>, vector<16xf32>
        %select_n3A_310 = arith.select %le3A_306, %rev3A_305, %while3A_263 : vector<16xi1>, vector<16xi32>
        %masked_sort3A_311 = arith.constant dense<true> : vector<16xi1>
        %masked_sort3A_312, %masked_sort3A_313, %masked_sort3A_314 = tpu.sort %select_n3A_307, %select_n3A_308 masked %masked_sort3A_311 : (vector<16xf32>, vector<16xi32>, vector<16xi1>) -> (vector<16xi1>, vector<16xf32>, vector<16xi32>)
        %masked_sort3A_315 = arith.constant dense<true> : vector<16xi1>
        %masked_sort3A_316, %masked_sort3A_317, %masked_sort3A_318 = tpu.sort %select_n3A_309, %select_n3A_310 masked %masked_sort3A_315 : (vector<16xf32>, vector<16xi32>, vector<16xi1>) -> (vector<16xi1>, vector<16xf32>, vector<16xi32>)
        scf.yield %masked_sort3A_313, %masked_sort3A_314, %masked_sort3A_317, %masked_sort3A_318 : vector<16xf32>, vector<16xi32>, vector<16xf32>, vector<16xi32>
      }
      %while3A_81 = arith.constant 1 : i32
      %while3A_82:4 = scf.for %while3A_261 = %while3A_78 to %while3A_74 step %while3A_81 iter_args(%while3A_262 = %while3A_80#0, %while3A_263 = %while3A_80#1, %while3A_264 = %while3A_80#2, %while3A_265 = %while3A_80#3) -> (vector<16xf32>, vector<16xi32>, vector<16xf32>, vector<16xi32>)  : i32 {
        %mul3A_266 = arith.constant 16 : i32
        %mul3A_267 = arith.muli %while3A_261, %mul3A_266 : i32
        %get3A_268 = arith.index_cast %mul3A_267 : i32 to index
        %get3A_269 = tpu.vector_load %arg9[%get3A_268] {strides = array<i32>} : memref<184xf32, #tpu.memory_space<vmem>>, vector<16xf32>,
        %get3A_270 = arith.index_cast %mul3A_267 : i32 to index
        %get3A_271 = tpu.vector_load %arg10[%get3A_270] {strides = array<i32>} : memref<184xi32, #tpu.memory_space<vmem>>, vector<16xi32>,
        %iota3A = tpu.iota {dimensions = array<i32: 0>} : vector<16xi32>
        %add3A_272 = vector.broadcast %mul3A_267 : i32 to vector<16xi32>
        %add3A_273 = arith.addi %iota3A, %add3A_272 : vector<16xi32>
        %lt3A_274 = arith.cmpi slt, %add3A_273, %broadcast_in_dim3A_54 : vector<16xi32>
        %jit3A_275 = arith.constant 3.000000e+38 : f32
        %broadcast_in_dim3A_276 = vector.broadcast %jit3A_275 : f32 to vector<16xf32>
        %select_n3A_277 = arith.select %lt3A_274, %get3A_269, %broadcast_in_dim3A_276 : vector<16xi1>, vector<16xf32>
        %masked_sort3A = arith.constant dense<true> : vector<16xi1>
        %masked_sort3A_278, %masked_sort3A_279, %masked_sort3A_280 = tpu.sort %select_n3A_277, %get3A_271 masked %masked_sort3A : (vector<16xf32>, vector<16xi32>, vector<16xi1>) -> (vector<16xi1>, vector<16xf32>, vector<16xi32>)
        %rev3A = arith.constant 15 : i32
        %rev3A_281 = vector.broadcast %rev3A : i32 to vector<16xi32>
        %rev3A_282 = tpu.iota {dimensions = array<i32: 0>} : vector<16xi32>
        %rev3A_283 = arith.subi %rev3A_281, %rev3A_282 : vector<16xi32>
        %rev3A_284 = tpu.dynamic_gather %masked_sort3A_279[%rev3A_283] in [0] : vector<16xf32>, vector<16xi32> -> vector<16xf32>
        %rev3A_285 = arith.constant 15 : i32
        %rev3A_286 = vector.broadcast %rev3A_285 : i32 to vector<16xi32>
        %rev3A_287 = tpu.iota {dimensions = array<i32: 0>} : vector<16xi32>
        %rev3A_288 = arith.subi %rev3A_286, %rev3A_287 : vector<16xi32>
        %rev3A_289 = tpu.dynamic_gather %masked_sort3A_280[%rev3A_288] in [0] : vector<16xi32>, vector<16xi32> -> vector<16xi32>
        %le3A = arith.cmpf ole, %while3A_264, %rev3A_284 : vector<16xf32>
        %select_n3A_290 = arith.select %le3A, %while3A_264, %rev3A_284 : vector<16xi1>, vector<16xf32>
        %select_n3A_291 = arith.select %le3A, %while3A_265, %rev3A_289 : vector<16xi1>, vector<16xi32>
        %masked_sort3A_292 = arith.constant dense<true> : vector<16xi1>
        %masked_sort3A_293, %masked_sort3A_294, %masked_sort3A_295 = tpu.sort %select_n3A_290, %select_n3A_291 masked %masked_sort3A_292 : (vector<16xf32>, vector<16xi32>, vector<16xi1>) -> (vector<16xi1>, vector<16xf32>, vector<16xi32>)
        %rev3A_296 = arith.constant 15 : i32
        %rev3A_297 = vector.broadcast %rev3A_296 : i32 to vector<16xi32>
        %rev3A_298 = tpu.iota {dimensions = array<i32: 0>} : vector<16xi32>
        %rev3A_299 = arith.subi %rev3A_297, %rev3A_298 : vector<16xi32>
        %rev3A_300 = tpu.dynamic_gather %masked_sort3A_294[%rev3A_299] in [0] : vector<16xf32>, vector<16xi32> -> vector<16xf32>
        %rev3A_301 = arith.constant 15 : i32
        %rev3A_302 = vector.broadcast %rev3A_301 : i32 to vector<16xi32>
        %rev3A_303 = tpu.iota {dimensions = array<i32: 0>} : vector<16xi32>
        %rev3A_304 = arith.subi %rev3A_302, %rev3A_303 : vector<16xi32>
        %rev3A_305 = tpu.dynamic_gather %masked_sort3A_295[%rev3A_304] in [0] : vector<16xi32>, vector<16xi32> -> vector<16xi32>
        %le3A_306 = arith.cmpf ole, %while3A_262, %rev3A_300 : vector<16xf32>
        %select_n3A_307 = arith.select %le3A_306, %while3A_262, %rev3A_300 : vector<16xi1>, vector<16xf32>
        %select_n3A_308 = arith.select %le3A_306, %while3A_263, %rev3A_305 : vector<16xi1>, vector<16xi32>
        %select_n3A_309 = arith.select %le3A_306, %rev3A_300, %while3A_262 : vector<16xi1>, vector<16xf32>
        %select_n3A_310 = arith.select %le3A_306, %rev3A_305, %while3A_263 : vector<16xi1>, vector<16xi32>
        %masked_sort3A_311 = arith.constant dense<true> : vector<16xi1>
        %masked_sort3A_312, %masked_sort3A_313, %masked_sort3A_314 = tpu.sort %select_n3A_307, %select_n3A_308 masked %masked_sort3A_311 : (vector<16xf32>, vector<16xi32>, vector<16xi1>) -> (vector<16xi1>, vector<16xf32>, vector<16xi32>)
        %masked_sort3A_315 = arith.constant dense<true> : vector<16xi1>
        %masked_sort3A_316, %masked_sort3A_317, %masked_sort3A_318 = tpu.sort %select_n3A_309, %select_n3A_310 masked %masked_sort3A_315 : (vector<16xf32>, vector<16xi32>, vector<16xi1>) -> (vector<16xi1>, vector<16xf32>, vector<16xi32>)
        scf.yield %masked_sort3A_313, %masked_sort3A_314, %masked_sort3A_317, %masked_sort3A_318 : vector<16xf32>, vector<16xi32>, vector<16xf32>, vector<16xi32>
      }
      %reduce_max3A = arith.constant true
      %reduce_max3A_83 = vector.broadcast %reduce_max3A : i1 to vector<16xi1>
      %reduce_max3A_84 = tpu.scan <max>, %while3A_82#2 masked %reduce_max3A_83 : vector<16xf32>, vector<16xi1> -> vector<16xf32>
      %reduce_max3A_85 = vector.extract %reduce_max3A_84[15] : f32 from vector<16xf32>
      %mul3A_86 = arith.constant 32 : i32
      %mul3A_87 = arith.muli %scan3A_24, %mul3A_86 : i32
      %swap3A = arith.index_cast %mul3A_87 : i32 to index
      %swap3A_88 = tpu.vector_load %arg11[%swap3A] {strides = array<i32>} : memref<1024xf32, #tpu.memory_space<vmem>>, vector<16xf32>,
      tpu.vector_store %arg11[%swap3A], %while3A_82#0 {strides = array<i32>} : memref<1024xf32, #tpu.memory_space<vmem>>, vector<16xf32>,
      %mul3A_89 = arith.constant 32 : i32
      %mul3A_90 = arith.muli %scan3A_24, %mul3A_89 : i32
      %add3A_91 = arith.constant 16 : i32
      %add3A_92 = arith.addi %mul3A_90, %add3A_91 : i32
      %swap3A_93 = arith.index_cast %add3A_92 : i32 to index
      %swap3A_94 = tpu.vector_load %arg11[%swap3A_93] {strides = array<i32>} : memref<1024xf32, #tpu.memory_space<vmem>>, vector<16xf32>,
      tpu.vector_store %arg11[%swap3A_93], %while3A_82#2 {strides = array<i32>} : memref<1024xf32, #tpu.memory_space<vmem>>, vector<16xf32>,
      %mul3A_95 = arith.constant 32 : i32
      %mul3A_96 = arith.muli %scan3A_24, %mul3A_95 : i32
      %swap3A_97 = arith.index_cast %mul3A_96 : i32 to index
      %swap3A_98 = tpu.vector_load %arg12[%swap3A_97] {strides = array<i32>} : memref<1024xi32, #tpu.memory_space<vmem>>, vector<16xi32>,
      tpu.vector_store %arg12[%swap3A_97], %while3A_82#1 {strides = array<i32>} : memref<1024xi32, #tpu.memory_space<vmem>>, vector<16xi32>,
      %mul3A_99 = arith.constant 32 : i32
      %mul3A_100 = arith.muli %scan3A_24, %mul3A_99 : i32
      %add3A_101 = arith.constant 16 : i32
      %add3A_102 = arith.addi %mul3A_100, %add3A_101 : i32
      %swap3A_103 = arith.index_cast %add3A_102 : i32 to index
      %swap3A_104 = tpu.vector_load %arg12[%swap3A_103] {strides = array<i32>} : memref<1024xi32, #tpu.memory_space<vmem>>, vector<16xi32>,
      tpu.vector_store %arg12[%swap3A_103], %while3A_82#3 {strides = array<i32>} : memref<1024xi32, #tpu.memory_space<vmem>>, vector<16xi32>,
      %add3A_105 = arith.constant 0 : i32
      %add3A_106 = vector.broadcast %add3A_105 : i32 to vector<16xi32>
      %add3A_107 = arith.addi %while3A_82#1, %add3A_106 : vector<16xi32>
      %gather3A_108 = tpu.vector_load_idx %arg7[%add3A_107] : memref<3072xf32, #tpu.memory_space<vmem>>[vector<16xi32>], vector<16xf32>,
      %sub3A_109 = arith.subf %gather3A_108, %gather3A : vector<16xf32>
      %add3A_110 = arith.addf %gather3A_108, %get3A_3 : vector<16xf32>
      %sub3A_111 = arith.subf %add3A_110, %gather3A : vector<16xf32>
      %sub3A_112 = arith.subf %gather3A_108, %get3A_3 : vector<16xf32>
      %sub3A_113 = arith.subf %sub3A_112, %gather3A : vector<16xf32>
      %mul3A_114 = arith.mulf %sub3A_109, %sub3A_109 : vector<16xf32>
      %mul3A_115 = arith.mulf %sub3A_111, %sub3A_111 : vector<16xf32>
      %mul3A_116 = arith.mulf %sub3A_113, %sub3A_113 : vector<16xf32>
      %lt3A = arith.cmpf olt, %mul3A_115, %mul3A_114 : vector<16xf32>
      %select_n3A_117 = arith.select %lt3A, %sub3A_111, %sub3A_109 : vector<16xi1>, vector<16xf32>
      %lt3A_118 = arith.cmpf olt, %mul3A_115, %mul3A_114 : vector<16xf32>
      %select_n3A_119 = arith.select %lt3A_118, %mul3A_115, %mul3A_114 : vector<16xi1>, vector<16xf32>
      %lt3A_120 = arith.cmpf olt, %mul3A_116, %select_n3A_119 : vector<16xf32>
      %select_n3A_121 = arith.select %lt3A_120, %sub3A_113, %select_n3A_117 : vector<16xi1>, vector<16xf32>
      %mul3A_122 = arith.constant 32 : i32
      %mul3A_123 = arith.muli %scan3A_24, %mul3A_122 : i32
      %add3A_124 = arith.constant 0 : i32
      %add3A_125 = arith.addi %add3A_124, %mul3A_123 : i32
      %add3A_126 = arith.constant 0 : i32
      %add3A_127 = arith.addi %add3A_125, %add3A_126 : i32
      %swap3A_128 = arith.index_cast %add3A_127 : i32 to index
      %swap3A_129 = tpu.vector_load %arg13[%swap3A_128] {strides = array<i32>} : memref<3072xf32, #tpu.memory_space<vmem>>, vector<16xf32>,
      tpu.vector_store %arg13[%swap3A_128], %select_n3A_121 {strides = array<i32>} : memref<3072xf32, #tpu.memory_space<vmem>>, vector<16xf32>,
      %add3A_130 = arith.constant 1024 : i32
      %add3A_131 = vector.broadcast %add3A_130 : i32 to vector<16xi32>
      %add3A_132 = arith.addi %while3A_82#1, %add3A_131 : vector<16xi32>
      %gather3A_133 = tpu.vector_load_idx %arg7[%add3A_132] : memref<3072xf32, #tpu.memory_space<vmem>>[vector<16xi32>], vector<16xf32>,
      %sub3A_134 = arith.subf %gather3A_133, %gather3A_33 : vector<16xf32>
      %add3A_135 = arith.addf %gather3A_133, %get3A_5 : vector<16xf32>
      %sub3A_136 = arith.subf %add3A_135, %gather3A_33 : vector<16xf32>
      %sub3A_137 = arith.subf %gather3A_133, %get3A_5 : vector<16xf32>
      %sub3A_138 = arith.subf %sub3A_137, %gather3A_33 : vector<16xf32>
      %mul3A_139 = arith.mulf %sub3A_134, %sub3A_134 : vector<16xf32>
      %mul3A_140 = arith.mulf %sub3A_136, %sub3A_136 : vector<16xf32>
      %mul3A_141 = arith.mulf %sub3A_138, %sub3A_138 : vector<16xf32>
      %lt3A_142 = arith.cmpf olt, %mul3A_140, %mul3A_139 : vector<16xf32>
      %select_n3A_143 = arith.select %lt3A_142, %sub3A_136, %sub3A_134 : vector<16xi1>, vector<16xf32>
      %lt3A_144 = arith.cmpf olt, %mul3A_140, %mul3A_139 : vector<16xf32>
      %select_n3A_145 = arith.select %lt3A_144, %mul3A_140, %mul3A_139 : vector<16xi1>, vector<16xf32>
      %lt3A_146 = arith.cmpf olt, %mul3A_141, %select_n3A_145 : vector<16xf32>
      %select_n3A_147 = arith.select %lt3A_146, %sub3A_138, %select_n3A_143 : vector<16xi1>, vector<16xf32>
      %mul3A_148 = arith.constant 32 : i32
      %mul3A_149 = arith.muli %scan3A_24, %mul3A_148 : i32
      %add3A_150 = arith.constant 1024 : i32
      %add3A_151 = arith.addi %add3A_150, %mul3A_149 : i32
      %add3A_152 = arith.constant 0 : i32
      %add3A_153 = arith.addi %add3A_151, %add3A_152 : i32
      %swap3A_154 = arith.index_cast %add3A_153 : i32 to index
      %swap3A_155 = tpu.vector_load %arg13[%swap3A_154] {strides = array<i32>} : memref<3072xf32, #tpu.memory_space<vmem>>, vector<16xf32>,
      tpu.vector_store %arg13[%swap3A_154], %select_n3A_147 {strides = array<i32>} : memref<3072xf32, #tpu.memory_space<vmem>>, vector<16xf32>,
      %add3A_156 = arith.constant 2048 : i32
      %add3A_157 = vector.broadcast %add3A_156 : i32 to vector<16xi32>
      %add3A_158 = arith.addi %while3A_82#1, %add3A_157 : vector<16xi32>
      %gather3A_159 = tpu.vector_load_idx %arg7[%add3A_158] : memref<3072xf32, #tpu.memory_space<vmem>>[vector<16xi32>], vector<16xf32>,
      %sub3A_160 = arith.subf %gather3A_159, %gather3A_37 : vector<16xf32>
      %add3A_161 = arith.addf %gather3A_159, %get3A_7 : vector<16xf32>
      %sub3A_162 = arith.subf %add3A_161, %gather3A_37 : vector<16xf32>
      %sub3A_163 = arith.subf %gather3A_159, %get3A_7 : vector<16xf32>
      %sub3A_164 = arith.subf %sub3A_163, %gather3A_37 : vector<16xf32>
      %mul3A_165 = arith.mulf %sub3A_160, %sub3A_160 : vector<16xf32>
      %mul3A_166 = arith.mulf %sub3A_162, %sub3A_162 : vector<16xf32>
      %mul3A_167 = arith.mulf %sub3A_164, %sub3A_164 : vector<16xf32>
      %lt3A_168 = arith.cmpf olt, %mul3A_166, %mul3A_165 : vector<16xf32>
      %select_n3A_169 = arith.select %lt3A_168, %sub3A_162, %sub3A_160 : vector<16xi1>, vector<16xf32>
      %lt3A_170 = arith.cmpf olt, %mul3A_166, %mul3A_165 : vector<16xf32>
      %select_n3A_171 = arith.select %lt3A_170, %mul3A_166, %mul3A_165 : vector<16xi1>, vector<16xf32>
      %lt3A_172 = arith.cmpf olt, %mul3A_167, %select_n3A_171 : vector<16xf32>
      %select_n3A_173 = arith.select %lt3A_172, %sub3A_164, %select_n3A_169 : vector<16xi1>, vector<16xf32>
      %mul3A_174 = arith.constant 32 : i32
      %mul3A_175 = arith.muli %scan3A_24, %mul3A_174 : i32
      %add3A_176 = arith.constant 2048 : i32
      %add3A_177 = arith.addi %add3A_176, %mul3A_175 : i32
      %add3A_178 = arith.constant 0 : i32
      %add3A_179 = arith.addi %add3A_177, %add3A_178 : i32
      %swap3A_180 = arith.index_cast %add3A_179 : i32 to index
      %swap3A_181 = tpu.vector_load %arg13[%swap3A_180] {strides = array<i32>} : memref<3072xf32, #tpu.memory_space<vmem>>, vector<16xf32>,
      tpu.vector_store %arg13[%swap3A_180], %select_n3A_173 {strides = array<i32>} : memref<3072xf32, #tpu.memory_space<vmem>>, vector<16xf32>,
      %add3A_182 = arith.constant 0 : i32
      %add3A_183 = vector.broadcast %add3A_182 : i32 to vector<16xi32>
      %add3A_184 = arith.addi %while3A_82#3, %add3A_183 : vector<16xi32>
      %gather3A_185 = tpu.vector_load_idx %arg7[%add3A_184] : memref<3072xf32, #tpu.memory_space<vmem>>[vector<16xi32>], vector<16xf32>,
      %sub3A_186 = arith.subf %gather3A_185, %gather3A : vector<16xf32>
      %add3A_187 = arith.addf %gather3A_185, %get3A_3 : vector<16xf32>
      %sub3A_188 = arith.subf %add3A_187, %gather3A : vector<16xf32>
      %sub3A_189 = arith.subf %gather3A_185, %get3A_3 : vector<16xf32>
      %sub3A_190 = arith.subf %sub3A_189, %gather3A : vector<16xf32>
      %mul3A_191 = arith.mulf %sub3A_186, %sub3A_186 : vector<16xf32>
      %mul3A_192 = arith.mulf %sub3A_188, %sub3A_188 : vector<16xf32>
      %mul3A_193 = arith.mulf %sub3A_190, %sub3A_190 : vector<16xf32>
      %lt3A_194 = arith.cmpf olt, %mul3A_192, %mul3A_191 : vector<16xf32>
      %select_n3A_195 = arith.select %lt3A_194, %sub3A_188, %sub3A_186 : vector<16xi1>, vector<16xf32>
      %lt3A_196 = arith.cmpf olt, %mul3A_192, %mul3A_191 : vector<16xf32>
      %select_n3A_197 = arith.select %lt3A_196, %mul3A_192, %mul3A_191 : vector<16xi1>, vector<16xf32>
      %lt3A_198 = arith.cmpf olt, %mul3A_193, %select_n3A_197 : vector<16xf32>
      %select_n3A_199 = arith.select %lt3A_198, %sub3A_190, %select_n3A_195 : vector<16xi1>, vector<16xf32>
      %mul3A_200 = arith.constant 32 : i32
      %mul3A_201 = arith.muli %scan3A_24, %mul3A_200 : i32
      %add3A_202 = arith.constant 0 : i32
      %add3A_203 = arith.addi %add3A_202, %mul3A_201 : i32
      %add3A_204 = arith.constant 16 : i32
      %add3A_205 = arith.addi %add3A_203, %add3A_204 : i32
      %swap3A_206 = arith.index_cast %add3A_205 : i32 to index
      %swap3A_207 = tpu.vector_load %arg13[%swap3A_206] {strides = array<i32>} : memref<3072xf32, #tpu.memory_space<vmem>>, vector<16xf32>,
      tpu.vector_store %arg13[%swap3A_206], %select_n3A_199 {strides = array<i32>} : memref<3072xf32, #tpu.memory_space<vmem>>, vector<16xf32>,
      %add3A_208 = arith.constant 1024 : i32
      %add3A_209 = vector.broadcast %add3A_208 : i32 to vector<16xi32>
      %add3A_210 = arith.addi %while3A_82#3, %add3A_209 : vector<16xi32>
      %gather3A_211 = tpu.vector_load_idx %arg7[%add3A_210] : memref<3072xf32, #tpu.memory_space<vmem>>[vector<16xi32>], vector<16xf32>,
      %sub3A_212 = arith.subf %gather3A_211, %gather3A_33 : vector<16xf32>
      %add3A_213 = arith.addf %gather3A_211, %get3A_5 : vector<16xf32>
      %sub3A_214 = arith.subf %add3A_213, %gather3A_33 : vector<16xf32>
      %sub3A_215 = arith.subf %gather3A_211, %get3A_5 : vector<16xf32>
      %sub3A_216 = arith.subf %sub3A_215, %gather3A_33 : vector<16xf32>
      %mul3A_217 = arith.mulf %sub3A_212, %sub3A_212 : vector<16xf32>
      %mul3A_218 = arith.mulf %sub3A_214, %sub3A_214 : vector<16xf32>
      %mul3A_219 = arith.mulf %sub3A_216, %sub3A_216 : vector<16xf32>
      %lt3A_220 = arith.cmpf olt, %mul3A_218, %mul3A_217 : vector<16xf32>
      %select_n3A_221 = arith.select %lt3A_220, %sub3A_214, %sub3A_212 : vector<16xi1>, vector<16xf32>
      %lt3A_222 = arith.cmpf olt, %mul3A_218, %mul3A_217 : vector<16xf32>
      %select_n3A_223 = arith.select %lt3A_222, %mul3A_218, %mul3A_217 : vector<16xi1>, vector<16xf32>
      %lt3A_224 = arith.cmpf olt, %mul3A_219, %select_n3A_223 : vector<16xf32>
      %select_n3A_225 = arith.select %lt3A_224, %sub3A_216, %select_n3A_221 : vector<16xi1>, vector<16xf32>
      %mul3A_226 = arith.constant 32 : i32
      %mul3A_227 = arith.muli %scan3A_24, %mul3A_226 : i32
      %add3A_228 = arith.constant 1024 : i32
      %add3A_229 = arith.addi %add3A_228, %mul3A_227 : i32
      %add3A_230 = arith.constant 16 : i32
      %add3A_231 = arith.addi %add3A_229, %add3A_230 : i32
      %swap3A_232 = arith.index_cast %add3A_231 : i32 to index
      %swap3A_233 = tpu.vector_load %arg13[%swap3A_232] {strides = array<i32>} : memref<3072xf32, #tpu.memory_space<vmem>>, vector<16xf32>,
      tpu.vector_store %arg13[%swap3A_232], %select_n3A_225 {strides = array<i32>} : memref<3072xf32, #tpu.memory_space<vmem>>, vector<16xf32>,
      %add3A_234 = arith.constant 2048 : i32
      %add3A_235 = vector.broadcast %add3A_234 : i32 to vector<16xi32>
      %add3A_236 = arith.addi %while3A_82#3, %add3A_235 : vector<16xi32>
      %gather3A_237 = tpu.vector_load_idx %arg7[%add3A_236] : memref<3072xf32, #tpu.memory_space<vmem>>[vector<16xi32>], vector<16xf32>,
      %sub3A_238 = arith.subf %gather3A_237, %gather3A_37 : vector<16xf32>
      %add3A_239 = arith.addf %gather3A_237, %get3A_7 : vector<16xf32>
      %sub3A_240 = arith.subf %add3A_239, %gather3A_37 : vector<16xf32>
      %sub3A_241 = arith.subf %gather3A_237, %get3A_7 : vector<16xf32>
      %sub3A_242 = arith.subf %sub3A_241, %gather3A_37 : vector<16xf32>
      %mul3A_243 = arith.mulf %sub3A_238, %sub3A_238 : vector<16xf32>
      %mul3A_244 = arith.mulf %sub3A_240, %sub3A_240 : vector<16xf32>
      %mul3A_245 = arith.mulf %sub3A_242, %sub3A_242 : vector<16xf32>
      %lt3A_246 = arith.cmpf olt, %mul3A_244, %mul3A_243 : vector<16xf32>
      %select_n3A_247 = arith.select %lt3A_246, %sub3A_240, %sub3A_238 : vector<16xi1>, vector<16xf32>
      %lt3A_248 = arith.cmpf olt, %mul3A_244, %mul3A_243 : vector<16xf32>
      %select_n3A_249 = arith.select %lt3A_248, %mul3A_244, %mul3A_243 : vector<16xi1>, vector<16xf32>
      %lt3A_250 = arith.cmpf olt, %mul3A_245, %select_n3A_249 : vector<16xf32>
      %select_n3A_251 = arith.select %lt3A_250, %sub3A_242, %select_n3A_247 : vector<16xi1>, vector<16xf32>
      %mul3A_252 = arith.constant 32 : i32
      %mul3A_253 = arith.muli %scan3A_24, %mul3A_252 : i32
      %add3A_254 = arith.constant 2048 : i32
      %add3A_255 = arith.addi %add3A_254, %mul3A_253 : i32
      %add3A_256 = arith.constant 16 : i32
      %add3A_257 = arith.addi %add3A_255, %add3A_256 : i32
      %swap3A_258 = arith.index_cast %add3A_257 : i32 to index
      %swap3A_259 = tpu.vector_load %arg13[%swap3A_258] {strides = array<i32>} : memref<3072xf32, #tpu.memory_space<vmem>>, vector<16xf32>,
      tpu.vector_store %arg13[%swap3A_258], %select_n3A_251 {strides = array<i32>} : memref<3072xf32, #tpu.memory_space<vmem>>, vector<16xf32>,
      %scan3A_260 = arith.constant 0 : i32
      scf.yield %scan3A_260 : i32
    }
    %scan3A_13 = arith.constant 32 : i32
    %mul3A_14 = arith.constant 32 : i32
    %mul3A_15 = arith.muli %mul3A_2, %mul3A_14 : i32
    "tpu.region"() ({
      %run_scoped3A = tpu.sem_alloc : memref<!tpu.dma_semaphore, #tpu.memory_space<semaphore_mem>>
      %dma_start3A = tpu.memref_slice %arg4[%mul3A_15] : memref<32768xf32, #tpu.memory_space<hbm>> -> memref<1024xf32, #tpu.memory_space<hbm>>
      %dma_start3A_24 = tpu.memref_slice %arg4[%mul3A_15] : memref<32768xf32, #tpu.memory_space<hbm>> -> memref<1024xf32, #tpu.memory_space<hbm>>
      tpu.enqueue_dma source(%arg11 : memref<1024xf32, #tpu.memory_space<vmem>>) target(%dma_start3A_24 : memref<1024xf32, #tpu.memory_space<hbm>>) target_semaphore(%run_scoped3A : memref<!tpu.dma_semaphore, #tpu.memory_space<semaphore_mem>>)
      %dma_wait3A = tpu.memref_slice %arg4[%mul3A_15] : memref<32768xf32, #tpu.memory_space<hbm>> -> memref<1024xf32, #tpu.memory_space<hbm>>
      %dma_wait3A_25 = tpu.memref_slice %arg4[%mul3A_15] : memref<32768xf32, #tpu.memory_space<hbm>> -> memref<1024xf32, #tpu.memory_space<hbm>>
      tpu.wait_dma2 semaphore(%run_scoped3A : memref<!tpu.dma_semaphore, #tpu.memory_space<semaphore_mem>>) src(%arg11 : memref<1024xf32, #tpu.memory_space<vmem>>) dst(%dma_wait3A_25 : memref<1024xf32, #tpu.memory_space<hbm>>)
      tpu.yield
    }) : () -> ()
    %mul3A_16 = arith.constant 32 : i32
    %mul3A_17 = arith.muli %mul3A_2, %mul3A_16 : i32
    "tpu.region"() ({
      %run_scoped3A = tpu.sem_alloc : memref<!tpu.dma_semaphore, #tpu.memory_space<semaphore_mem>>
      %dma_start3A = tpu.memref_slice %arg5[%mul3A_17] : memref<32768xi32, #tpu.memory_space<hbm>> -> memref<1024xi32, #tpu.memory_space<hbm>>
      %dma_start3A_24 = tpu.memref_slice %arg5[%mul3A_17] : memref<32768xi32, #tpu.memory_space<hbm>> -> memref<1024xi32, #tpu.memory_space<hbm>>
      tpu.enqueue_dma source(%arg12 : memref<1024xi32, #tpu.memory_space<vmem>>) target(%dma_start3A_24 : memref<1024xi32, #tpu.memory_space<hbm>>) target_semaphore(%run_scoped3A : memref<!tpu.dma_semaphore, #tpu.memory_space<semaphore_mem>>)
      %dma_wait3A = tpu.memref_slice %arg5[%mul3A_17] : memref<32768xi32, #tpu.memory_space<hbm>> -> memref<1024xi32, #tpu.memory_space<hbm>>
      %dma_wait3A_25 = tpu.memref_slice %arg5[%mul3A_17] : memref<32768xi32, #tpu.memory_space<hbm>> -> memref<1024xi32, #tpu.memory_space<hbm>>
      tpu.wait_dma2 semaphore(%run_scoped3A : memref<!tpu.dma_semaphore, #tpu.memory_space<semaphore_mem>>) src(%arg12 : memref<1024xi32, #tpu.memory_space<vmem>>) dst(%dma_wait3A_25 : memref<1024xi32, #tpu.memory_space<hbm>>)
      tpu.yield
    }) : () -> ()
    %mul3A_18 = arith.constant 3 : i32
    %mul3A_19 = arith.muli %add3A, %mul3A_18 : i32
    %mul3A_20 = arith.constant 32 : i32
    %mul3A_21 = arith.muli %mul3A_19, %mul3A_20 : i32
    %mul3A_22 = arith.constant 32 : i32
    %mul3A_23 = arith.muli %mul3A_21, %mul3A_22 : i32
    "tpu.region"() ({
      %run_scoped3A = tpu.sem_alloc : memref<!tpu.dma_semaphore, #tpu.memory_space<semaphore_mem>>
      %dma_start3A = tpu.memref_slice %arg6[%mul3A_23] : memref<98304xf32, #tpu.memory_space<hbm>> -> memref<3072xf32, #tpu.memory_space<hbm>>
      %dma_start3A_24 = tpu.memref_slice %arg6[%mul3A_23] : memref<98304xf32, #tpu.memory_space<hbm>> -> memref<3072xf32, #tpu.memory_space<hbm>>
      tpu.enqueue_dma source(%arg13 : memref<3072xf32, #tpu.memory_space<vmem>>) target(%dma_start3A_24 : memref<3072xf32, #tpu.memory_space<hbm>>) target_semaphore(%run_scoped3A : memref<!tpu.dma_semaphore, #tpu.memory_space<semaphore_mem>>)
      %dma_wait3A = tpu.memref_slice %arg6[%mul3A_23] : memref<98304xf32, #tpu.memory_space<hbm>> -> memref<3072xf32, #tpu.memory_space<hbm>>
      %dma_wait3A_25 = tpu.memref_slice %arg6[%mul3A_23] : memref<98304xf32, #tpu.memory_space<hbm>> -> memref<3072xf32, #tpu.memory_space<hbm>>
      tpu.wait_dma2 semaphore(%run_scoped3A : memref<!tpu.dma_semaphore, #tpu.memory_space<semaphore_mem>>) src(%arg13 : memref<3072xf32, #tpu.memory_space<vmem>>) dst(%dma_wait3A_25 : memref<3072xf32, #tpu.memory_space<hbm>>)
      tpu.yield
    }) : () -> ()
    return
  }
}

module attributes {stable_mosaic.version = 14 : i64} {
  func.func @body(%arg0: memref<1024x32xf32, #tpu.memory_space<vmem>>, %arg1: memref<1024x32xi32, #tpu.memory_space<vmem>>, %arg2: memref<1024x32xf32, #tpu.memory_space<vmem>>, %arg3: memref<1024x32xf32, #tpu.memory_space<vmem>>, %arg4: memref<1024x32xf32, #tpu.memory_space<vmem>>, %arg5: memref<1024x32xi32, #tpu.memory_space<vmem>>, %arg6: memref<1024x32xf32, #tpu.memory_space<vmem>>, %arg7: memref<1024x32xf32, #tpu.memory_space<vmem>>, %arg8: memref<1024x32xf32, #tpu.memory_space<vmem>>, %arg9: memref<1024x32xf32, #tpu.memory_space<vmem>>) attributes {dimension_semantics = [], scalar_prefetch = 0 : i64, scratch_operands = 0 : i64, tpu.core_type = #tpu.core_type<tc>} {
    %get3A = arith.constant 0 : index
    %get3A_0 = arith.constant 0 : index
    %get3A_1 = vector.load %arg0[%get3A, %get3A_0] : memref<1024x32xf32, #tpu.memory_space<vmem>>, vector<1024x32xf32>
    %add3A = arith.constant 9.99999996E-13 : f32
    %add3A_2 = vector.broadcast %add3A : f32 to vector<1024x32xf32>
    %add3A_3 = arith.addf %get3A_1, %add3A_2 : vector<1024x32xf32>
    %sqrt3A = math.sqrt %add3A_3 : vector<1024x32xf32>
    %get3A_4 = arith.constant 0 : index
    %get3A_5 = arith.constant 0 : index
    %get3A_6 = vector.load %arg1[%get3A_4, %get3A_5] : memref<1024x32xi32, #tpu.memory_space<vmem>>, vector<1024x32xi32>
    %get3A_7 = arith.constant 0 : index
    %get3A_8 = arith.constant 0 : index
    %get3A_9 = vector.load %arg2[%get3A_7, %get3A_8] : memref<1024x32xf32, #tpu.memory_space<vmem>>, vector<1024x32xf32>
    %get3A_10 = arith.constant 0 : index
    %get3A_11 = arith.constant 0 : index
    %get3A_12 = vector.load %arg3[%get3A_10, %get3A_11] : memref<1024x32xf32, #tpu.memory_space<vmem>>, vector<1024x32xf32>
    %get3A_13 = arith.constant 0 : index
    %get3A_14 = arith.constant 0 : index
    %get3A_15 = vector.load %arg4[%get3A_13, %get3A_14] : memref<1024x32xf32, #tpu.memory_space<vmem>>, vector<1024x32xf32>
    %iota3A = tpu.iota {dimensions = array<i32: 1>} : vector<1024x32xi32>
    %slice3A = vector.extract_strided_slice %sqrt3A {offsets = [0, 1], sizes = [1024, 31], strides = [1, 1]} : vector<1024x32xf32> to vector<1024x31xf32>
    %slice3A_16 = vector.extract_strided_slice %sqrt3A {offsets = [0, 0], sizes = [1024, 1], strides = [1, 1]} : vector<1024x32xf32> to vector<1024x1xf32>
    %concatenate3A = tpu.concatenate %slice3A, %slice3A_16 in 1 : vector<1024x31xf32>, vector<1024x1xf32> -> vector<1024x32xf32>
    %slice3A_17 = vector.extract_strided_slice %get3A_6 {offsets = [0, 1], sizes = [1024, 31], strides = [1, 1]} : vector<1024x32xi32> to vector<1024x31xi32>
    %slice3A_18 = vector.extract_strided_slice %get3A_6 {offsets = [0, 0], sizes = [1024, 1], strides = [1, 1]} : vector<1024x32xi32> to vector<1024x1xi32>
    %concatenate3A_19 = tpu.concatenate %slice3A_17, %slice3A_18 in 1 : vector<1024x31xi32>, vector<1024x1xi32> -> vector<1024x32xi32>
    %slice3A_20 = vector.extract_strided_slice %sqrt3A {offsets = [0, 0], sizes = [1024, 1], strides = [1, 1]} : vector<1024x32xf32> to vector<1024x1xf32>
    %slice3A_21 = vector.extract_strided_slice %sqrt3A {offsets = [0, 0], sizes = [1024, 31], strides = [1, 1]} : vector<1024x32xf32> to vector<1024x31xf32>
    %concatenate3A_22 = tpu.concatenate %slice3A_20, %slice3A_21 in 1 : vector<1024x1xf32>, vector<1024x31xf32> -> vector<1024x32xf32>
    %slice3A_23 = vector.extract_strided_slice %get3A_6 {offsets = [0, 0], sizes = [1024, 1], strides = [1, 1]} : vector<1024x32xi32> to vector<1024x1xi32>
    %slice3A_24 = vector.extract_strided_slice %get3A_6 {offsets = [0, 0], sizes = [1024, 31], strides = [1, 1]} : vector<1024x32xi32> to vector<1024x31xi32>
    %concatenate3A_25 = tpu.concatenate %slice3A_23, %slice3A_24 in 1 : vector<1024x1xi32>, vector<1024x31xi32> -> vector<1024x32xi32>
    %eq3A = arith.cmpf oeq, %sqrt3A, %concatenate3A : vector<1024x32xf32>
    %gt3A = arith.cmpi sgt, %get3A_6, %concatenate3A_19 : vector<1024x32xi32>
    %and3A = arith.andi %eq3A, %gt3A : vector<1024x32xi1>
    %jit3A = arith.constant 2 : i32
    %eq3A_26 = arith.constant 0 : i32
    %eq3A_27 = arith.cmpi eq, %jit3A, %eq3A_26 : i32
    %jit3A_28 = arith.constant 1 : i32
    %select_n3A = arith.select %eq3A_27, %jit3A_28, %jit3A : i32
    %rem3A = vector.broadcast %select_n3A : i32 to vector<1024x32xi32>
    %rem3A_29 = arith.remsi %iota3A, %rem3A : vector<1024x32xi32>
    %ne3A = arith.constant 0 : i32
    %ne3A_30 = vector.broadcast %ne3A : i32 to vector<1024x32xi32>
    %ne3A_31 = arith.cmpi ne, %rem3A_29, %ne3A_30 : vector<1024x32xi32>
    %lt3A = arith.constant 0 : i32
    %lt3A_32 = vector.broadcast %lt3A : i32 to vector<1024x32xi32>
    %lt3A_33 = arith.cmpi slt, %rem3A_29, %lt3A_32 : vector<1024x32xi32>
    %lt3A_34 = arith.constant 0 : i32
    %lt3A_35 = arith.cmpi slt, %select_n3A, %lt3A_34 : i32
    %ne3A_36 = vector.broadcast %lt3A_35 : i1 to vector<1024x32xi1>
    %ne3A_37 = vector.broadcast %ne3A_36 : vector<1024x32xi1> to vector<1024x32xi1>
    %ne3A_38 = arith.xori %lt3A_33, %ne3A_37 : vector<1024x32xi1>
    %and3A_39 = arith.andi %ne3A_38, %ne3A_31 : vector<1024x32xi1>
    %add3A_40 = vector.broadcast %select_n3A : i32 to vector<1024x32xi32>
    %add3A_41 = arith.addi %rem3A_29, %add3A_40 : vector<1024x32xi32>
    %select_n3A_42 = arith.select %and3A_39, %add3A_41, %rem3A_29 : vector<1024x32xi1>, vector<1024x32xi32>
    %eq3A_43 = arith.constant 0 : i32
    %eq3A_44 = vector.broadcast %eq3A_43 : i32 to vector<1024x32xi32>
    %eq3A_45 = arith.cmpi eq, %select_n3A_42, %eq3A_44 : vector<1024x32xi32>
    %and3A_46 = arith.andi %and3A, %eq3A_45 : vector<1024x32xi1>
    %lt3A_47 = arith.constant 31 : i32
    %lt3A_48 = vector.broadcast %lt3A_47 : i32 to vector<1024x32xi32>
    %lt3A_49 = arith.cmpi slt, %iota3A, %lt3A_48 : vector<1024x32xi32>
    %and3A_50 = arith.andi %and3A_46, %lt3A_49 : vector<1024x32xi1>
    %eq3A_51 = arith.cmpf oeq, %concatenate3A_22, %sqrt3A : vector<1024x32xf32>
    %gt3A_52 = arith.cmpi sgt, %concatenate3A_25, %get3A_6 : vector<1024x32xi32>
    %and3A_53 = arith.andi %eq3A_51, %gt3A_52 : vector<1024x32xi1>
    %add3A_54 = arith.constant 1 : i32
    %add3A_55 = vector.broadcast %add3A_54 : i32 to vector<1024x32xi32>
    %add3A_56 = arith.addi %iota3A, %add3A_55 : vector<1024x32xi32>
    %jit3A_57 = arith.constant 2 : i32
    %eq3A_58 = arith.constant 0 : i32
    %eq3A_59 = arith.cmpi eq, %jit3A_57, %eq3A_58 : i32
    %jit3A_60 = arith.constant 1 : i32
    %select_n3A_61 = arith.select %eq3A_59, %jit3A_60, %jit3A_57 : i32
    %rem3A_62 = vector.broadcast %select_n3A_61 : i32 to vector<1024x32xi32>
    %rem3A_63 = arith.remsi %add3A_56, %rem3A_62 : vector<1024x32xi32>
    %ne3A_64 = arith.constant 0 : i32
    %ne3A_65 = vector.broadcast %ne3A_64 : i32 to vector<1024x32xi32>
    %ne3A_66 = arith.cmpi ne, %rem3A_63, %ne3A_65 : vector<1024x32xi32>
    %lt3A_67 = arith.constant 0 : i32
    %lt3A_68 = vector.broadcast %lt3A_67 : i32 to vector<1024x32xi32>
    %lt3A_69 = arith.cmpi slt, %rem3A_63, %lt3A_68 : vector<1024x32xi32>
    %lt3A_70 = arith.constant 0 : i32
    %lt3A_71 = arith.cmpi slt, %select_n3A_61, %lt3A_70 : i32
    %ne3A_72 = vector.broadcast %lt3A_71 : i1 to vector<1024x32xi1>
    %ne3A_73 = vector.broadcast %ne3A_72 : vector<1024x32xi1> to vector<1024x32xi1>
    %ne3A_74 = arith.xori %lt3A_69, %ne3A_73 : vector<1024x32xi1>
    %and3A_75 = arith.andi %ne3A_74, %ne3A_66 : vector<1024x32xi1>
    %add3A_76 = vector.broadcast %select_n3A_61 : i32 to vector<1024x32xi32>
    %add3A_77 = arith.addi %rem3A_63, %add3A_76 : vector<1024x32xi32>
    %select_n3A_78 = arith.select %and3A_75, %add3A_77, %rem3A_63 : vector<1024x32xi1>, vector<1024x32xi32>
    %eq3A_79 = arith.constant 0 : i32
    %eq3A_80 = vector.broadcast %eq3A_79 : i32 to vector<1024x32xi32>
    %eq3A_81 = arith.cmpi eq, %select_n3A_78, %eq3A_80 : vector<1024x32xi32>
    %and3A_82 = arith.andi %and3A_53, %eq3A_81 : vector<1024x32xi1>
    %ge3A = arith.constant 1 : i32
    %ge3A_83 = vector.broadcast %ge3A : i32 to vector<1024x32xi32>
    %ge3A_84 = arith.cmpi sge, %iota3A, %ge3A_83 : vector<1024x32xi32>
    %and3A_85 = arith.andi %and3A_82, %ge3A_84 : vector<1024x32xi1>
    %select_n3A_86 = arith.select %and3A_85, %concatenate3A_25, %get3A_6 : vector<1024x32xi1>, vector<1024x32xi32>
    %select_n3A_87 = arith.select %and3A_50, %concatenate3A_19, %select_n3A_86 : vector<1024x32xi1>, vector<1024x32xi32>
    %slice3A_88 = vector.extract_strided_slice %get3A_9 {offsets = [0, 1], sizes = [1024, 31], strides = [1, 1]} : vector<1024x32xf32> to vector<1024x31xf32>
    %slice3A_89 = vector.extract_strided_slice %get3A_9 {offsets = [0, 0], sizes = [1024, 1], strides = [1, 1]} : vector<1024x32xf32> to vector<1024x1xf32>
    %concatenate3A_90 = tpu.concatenate %slice3A_88, %slice3A_89 in 1 : vector<1024x31xf32>, vector<1024x1xf32> -> vector<1024x32xf32>
    %slice3A_91 = vector.extract_strided_slice %get3A_9 {offsets = [0, 0], sizes = [1024, 1], strides = [1, 1]} : vector<1024x32xf32> to vector<1024x1xf32>
    %slice3A_92 = vector.extract_strided_slice %get3A_9 {offsets = [0, 0], sizes = [1024, 31], strides = [1, 1]} : vector<1024x32xf32> to vector<1024x31xf32>
    %concatenate3A_93 = tpu.concatenate %slice3A_91, %slice3A_92 in 1 : vector<1024x1xf32>, vector<1024x31xf32> -> vector<1024x32xf32>
    %select_n3A_94 = arith.select %and3A_85, %concatenate3A_93, %get3A_9 : vector<1024x32xi1>, vector<1024x32xf32>
    %select_n3A_95 = arith.select %and3A_50, %concatenate3A_90, %select_n3A_94 : vector<1024x32xi1>, vector<1024x32xf32>
    %slice3A_96 = vector.extract_strided_slice %get3A_12 {offsets = [0, 1], sizes = [1024, 31], strides = [1, 1]} : vector<1024x32xf32> to vector<1024x31xf32>
    %slice3A_97 = vector.extract_strided_slice %get3A_12 {offsets = [0, 0], sizes = [1024, 1], strides = [1, 1]} : vector<1024x32xf32> to vector<1024x1xf32>
    %concatenate3A_98 = tpu.concatenate %slice3A_96, %slice3A_97 in 1 : vector<1024x31xf32>, vector<1024x1xf32> -> vector<1024x32xf32>
    %slice3A_99 = vector.extract_strided_slice %get3A_12 {offsets = [0, 0], sizes = [1024, 1], strides = [1, 1]} : vector<1024x32xf32> to vector<1024x1xf32>
    %slice3A_100 = vector.extract_strided_slice %get3A_12 {offsets = [0, 0], sizes = [1024, 31], strides = [1, 1]} : vector<1024x32xf32> to vector<1024x31xf32>
    %concatenate3A_101 = tpu.concatenate %slice3A_99, %slice3A_100 in 1 : vector<1024x1xf32>, vector<1024x31xf32> -> vector<1024x32xf32>
    %select_n3A_102 = arith.select %and3A_85, %concatenate3A_101, %get3A_12 : vector<1024x32xi1>, vector<1024x32xf32>
    %select_n3A_103 = arith.select %and3A_50, %concatenate3A_98, %select_n3A_102 : vector<1024x32xi1>, vector<1024x32xf32>
    %slice3A_104 = vector.extract_strided_slice %get3A_15 {offsets = [0, 1], sizes = [1024, 31], strides = [1, 1]} : vector<1024x32xf32> to vector<1024x31xf32>
    %slice3A_105 = vector.extract_strided_slice %get3A_15 {offsets = [0, 0], sizes = [1024, 1], strides = [1, 1]} : vector<1024x32xf32> to vector<1024x1xf32>
    %concatenate3A_106 = tpu.concatenate %slice3A_104, %slice3A_105 in 1 : vector<1024x31xf32>, vector<1024x1xf32> -> vector<1024x32xf32>
    %slice3A_107 = vector.extract_strided_slice %get3A_15 {offsets = [0, 0], sizes = [1024, 1], strides = [1, 1]} : vector<1024x32xf32> to vector<1024x1xf32>
    %slice3A_108 = vector.extract_strided_slice %get3A_15 {offsets = [0, 0], sizes = [1024, 31], strides = [1, 1]} : vector<1024x32xf32> to vector<1024x31xf32>
    %concatenate3A_109 = tpu.concatenate %slice3A_107, %slice3A_108 in 1 : vector<1024x1xf32>, vector<1024x31xf32> -> vector<1024x32xf32>
    %select_n3A_110 = arith.select %and3A_85, %concatenate3A_109, %get3A_15 : vector<1024x32xi1>, vector<1024x32xf32>
    %select_n3A_111 = arith.select %and3A_50, %concatenate3A_106, %select_n3A_110 : vector<1024x32xi1>, vector<1024x32xf32>
    %slice3A_112 = vector.extract_strided_slice %sqrt3A {offsets = [0, 1], sizes = [1024, 31], strides = [1, 1]} : vector<1024x32xf32> to vector<1024x31xf32>
    %slice3A_113 = vector.extract_strided_slice %sqrt3A {offsets = [0, 0], sizes = [1024, 1], strides = [1, 1]} : vector<1024x32xf32> to vector<1024x1xf32>
    %concatenate3A_114 = tpu.concatenate %slice3A_112, %slice3A_113 in 1 : vector<1024x31xf32>, vector<1024x1xf32> -> vector<1024x32xf32>
    %slice3A_115 = vector.extract_strided_slice %select_n3A_87 {offsets = [0, 1], sizes = [1024, 31], strides = [1, 1]} : vector<1024x32xi32> to vector<1024x31xi32>
    %slice3A_116 = vector.extract_strided_slice %select_n3A_87 {offsets = [0, 0], sizes = [1024, 1], strides = [1, 1]} : vector<1024x32xi32> to vector<1024x1xi32>
    %concatenate3A_117 = tpu.concatenate %slice3A_115, %slice3A_116 in 1 : vector<1024x31xi32>, vector<1024x1xi32> -> vector<1024x32xi32>
    %slice3A_118 = vector.extract_strided_slice %sqrt3A {offsets = [0, 0], sizes = [1024, 1], strides = [1, 1]} : vector<1024x32xf32> to vector<1024x1xf32>
    %slice3A_119 = vector.extract_strided_slice %sqrt3A {offsets = [0, 0], sizes = [1024, 31], strides = [1, 1]} : vector<1024x32xf32> to vector<1024x31xf32>
    %concatenate3A_120 = tpu.concatenate %slice3A_118, %slice3A_119 in 1 : vector<1024x1xf32>, vector<1024x31xf32> -> vector<1024x32xf32>
    %slice3A_121 = vector.extract_strided_slice %select_n3A_87 {offsets = [0, 0], sizes = [1024, 1], strides = [1, 1]} : vector<1024x32xi32> to vector<1024x1xi32>
    %slice3A_122 = vector.extract_strided_slice %select_n3A_87 {offsets = [0, 0], sizes = [1024, 31], strides = [1, 1]} : vector<1024x32xi32> to vector<1024x31xi32>
    %concatenate3A_123 = tpu.concatenate %slice3A_121, %slice3A_122 in 1 : vector<1024x1xi32>, vector<1024x31xi32> -> vector<1024x32xi32>
    %eq3A_124 = arith.cmpf oeq, %sqrt3A, %concatenate3A_114 : vector<1024x32xf32>
    %gt3A_125 = arith.cmpi sgt, %select_n3A_87, %concatenate3A_117 : vector<1024x32xi32>
    %and3A_126 = arith.andi %eq3A_124, %gt3A_125 : vector<1024x32xi1>
    %jit3A_127 = arith.constant 2 : i32
    %eq3A_128 = arith.constant 0 : i32
    %eq3A_129 = arith.cmpi eq, %jit3A_127, %eq3A_128 : i32
    %jit3A_130 = arith.constant 1 : i32
    %select_n3A_131 = arith.select %eq3A_129, %jit3A_130, %jit3A_127 : i32
    %rem3A_132 = vector.broadcast %select_n3A_131 : i32 to vector<1024x32xi32>
    %rem3A_133 = arith.remsi %iota3A, %rem3A_132 : vector<1024x32xi32>
    %ne3A_134 = arith.constant 0 : i32
    %ne3A_135 = vector.broadcast %ne3A_134 : i32 to vector<1024x32xi32>
    %ne3A_136 = arith.cmpi ne, %rem3A_133, %ne3A_135 : vector<1024x32xi32>
    %lt3A_137 = arith.constant 0 : i32
    %lt3A_138 = vector.broadcast %lt3A_137 : i32 to vector<1024x32xi32>
    %lt3A_139 = arith.cmpi slt, %rem3A_133, %lt3A_138 : vector<1024x32xi32>
    %lt3A_140 = arith.constant 0 : i32
    %lt3A_141 = arith.cmpi slt, %select_n3A_131, %lt3A_140 : i32
    %ne3A_142 = vector.broadcast %lt3A_141 : i1 to vector<1024x32xi1>
    %ne3A_143 = vector.broadcast %ne3A_142 : vector<1024x32xi1> to vector<1024x32xi1>
    %ne3A_144 = arith.xori %lt3A_139, %ne3A_143 : vector<1024x32xi1>
    %and3A_145 = arith.andi %ne3A_144, %ne3A_136 : vector<1024x32xi1>
    %add3A_146 = vector.broadcast %select_n3A_131 : i32 to vector<1024x32xi32>
    %add3A_147 = arith.addi %rem3A_133, %add3A_146 : vector<1024x32xi32>
    %select_n3A_148 = arith.select %and3A_145, %add3A_147, %rem3A_133 : vector<1024x32xi1>, vector<1024x32xi32>
    %eq3A_149 = arith.constant 1 : i32
    %eq3A_150 = vector.broadcast %eq3A_149 : i32 to vector<1024x32xi32>
    %eq3A_151 = arith.cmpi eq, %select_n3A_148, %eq3A_150 : vector<1024x32xi32>
    %and3A_152 = arith.andi %and3A_126, %eq3A_151 : vector<1024x32xi1>
    %lt3A_153 = arith.constant 31 : i32
    %lt3A_154 = vector.broadcast %lt3A_153 : i32 to vector<1024x32xi32>
    %lt3A_155 = arith.cmpi slt, %iota3A, %lt3A_154 : vector<1024x32xi32>
    %and3A_156 = arith.andi %and3A_152, %lt3A_155 : vector<1024x32xi1>
    %eq3A_157 = arith.cmpf oeq, %concatenate3A_120, %sqrt3A : vector<1024x32xf32>
    %gt3A_158 = arith.cmpi sgt, %concatenate3A_123, %select_n3A_87 : vector<1024x32xi32>
    %and3A_159 = arith.andi %eq3A_157, %gt3A_158 : vector<1024x32xi1>
    %add3A_160 = arith.constant 1 : i32
    %add3A_161 = vector.broadcast %add3A_160 : i32 to vector<1024x32xi32>
    %add3A_162 = arith.addi %iota3A, %add3A_161 : vector<1024x32xi32>
    %jit3A_163 = arith.constant 2 : i32
    %eq3A_164 = arith.constant 0 : i32
    %eq3A_165 = arith.cmpi eq, %jit3A_163, %eq3A_164 : i32
    %jit3A_166 = arith.constant 1 : i32
    %select_n3A_167 = arith.select %eq3A_165, %jit3A_166, %jit3A_163 : i32
    %rem3A_168 = vector.broadcast %select_n3A_167 : i32 to vector<1024x32xi32>
    %rem3A_169 = arith.remsi %add3A_162, %rem3A_168 : vector<1024x32xi32>
    %ne3A_170 = arith.constant 0 : i32
    %ne3A_171 = vector.broadcast %ne3A_170 : i32 to vector<1024x32xi32>
    %ne3A_172 = arith.cmpi ne, %rem3A_169, %ne3A_171 : vector<1024x32xi32>
    %lt3A_173 = arith.constant 0 : i32
    %lt3A_174 = vector.broadcast %lt3A_173 : i32 to vector<1024x32xi32>
    %lt3A_175 = arith.cmpi slt, %rem3A_169, %lt3A_174 : vector<1024x32xi32>
    %lt3A_176 = arith.constant 0 : i32
    %lt3A_177 = arith.cmpi slt, %select_n3A_167, %lt3A_176 : i32
    %ne3A_178 = vector.broadcast %lt3A_177 : i1 to vector<1024x32xi1>
    %ne3A_179 = vector.broadcast %ne3A_178 : vector<1024x32xi1> to vector<1024x32xi1>
    %ne3A_180 = arith.xori %lt3A_175, %ne3A_179 : vector<1024x32xi1>
    %and3A_181 = arith.andi %ne3A_180, %ne3A_172 : vector<1024x32xi1>
    %add3A_182 = vector.broadcast %select_n3A_167 : i32 to vector<1024x32xi32>
    %add3A_183 = arith.addi %rem3A_169, %add3A_182 : vector<1024x32xi32>
    %select_n3A_184 = arith.select %and3A_181, %add3A_183, %rem3A_169 : vector<1024x32xi1>, vector<1024x32xi32>
    %eq3A_185 = arith.constant 1 : i32
    %eq3A_186 = vector.broadcast %eq3A_185 : i32 to vector<1024x32xi32>
    %eq3A_187 = arith.cmpi eq, %select_n3A_184, %eq3A_186 : vector<1024x32xi32>
    %and3A_188 = arith.andi %and3A_159, %eq3A_187 : vector<1024x32xi1>
    %ge3A_189 = arith.constant 1 : i32
    %ge3A_190 = vector.broadcast %ge3A_189 : i32 to vector<1024x32xi32>
    %ge3A_191 = arith.cmpi sge, %iota3A, %ge3A_190 : vector<1024x32xi32>
    %and3A_192 = arith.andi %and3A_188, %ge3A_191 : vector<1024x32xi1>
    %select_n3A_193 = arith.select %and3A_192, %concatenate3A_123, %select_n3A_87 : vector<1024x32xi1>, vector<1024x32xi32>
    %select_n3A_194 = arith.select %and3A_156, %concatenate3A_117, %select_n3A_193 : vector<1024x32xi1>, vector<1024x32xi32>
    %slice3A_195 = vector.extract_strided_slice %select_n3A_95 {offsets = [0, 1], sizes = [1024, 31], strides = [1, 1]} : vector<1024x32xf32> to vector<1024x31xf32>
    %slice3A_196 = vector.extract_strided_slice %select_n3A_95 {offsets = [0, 0], sizes = [1024, 1], strides = [1, 1]} : vector<1024x32xf32> to vector<1024x1xf32>
    %concatenate3A_197 = tpu.concatenate %slice3A_195, %slice3A_196 in 1 : vector<1024x31xf32>, vector<1024x1xf32> -> vector<1024x32xf32>
    %slice3A_198 = vector.extract_strided_slice %select_n3A_95 {offsets = [0, 0], sizes = [1024, 1], strides = [1, 1]} : vector<1024x32xf32> to vector<1024x1xf32>
    %slice3A_199 = vector.extract_strided_slice %select_n3A_95 {offsets = [0, 0], sizes = [1024, 31], strides = [1, 1]} : vector<1024x32xf32> to vector<1024x31xf32>
    %concatenate3A_200 = tpu.concatenate %slice3A_198, %slice3A_199 in 1 : vector<1024x1xf32>, vector<1024x31xf32> -> vector<1024x32xf32>
    %select_n3A_201 = arith.select %and3A_192, %concatenate3A_200, %select_n3A_95 : vector<1024x32xi1>, vector<1024x32xf32>
    %select_n3A_202 = arith.select %and3A_156, %concatenate3A_197, %select_n3A_201 : vector<1024x32xi1>, vector<1024x32xf32>
    %slice3A_203 = vector.extract_strided_slice %select_n3A_103 {offsets = [0, 1], sizes = [1024, 31], strides = [1, 1]} : vector<1024x32xf32> to vector<1024x31xf32>
    %slice3A_204 = vector.extract_strided_slice %select_n3A_103 {offsets = [0, 0], sizes = [1024, 1], strides = [1, 1]} : vector<1024x32xf32> to vector<1024x1xf32>
    %concatenate3A_205 = tpu.concatenate %slice3A_203, %slice3A_204 in 1 : vector<1024x31xf32>, vector<1024x1xf32> -> vector<1024x32xf32>
    %slice3A_206 = vector.extract_strided_slice %select_n3A_103 {offsets = [0, 0], sizes = [1024, 1], strides = [1, 1]} : vector<1024x32xf32> to vector<1024x1xf32>
    %slice3A_207 = vector.extract_strided_slice %select_n3A_103 {offsets = [0, 0], sizes = [1024, 31], strides = [1, 1]} : vector<1024x32xf32> to vector<1024x31xf32>
    %concatenate3A_208 = tpu.concatenate %slice3A_206, %slice3A_207 in 1 : vector<1024x1xf32>, vector<1024x31xf32> -> vector<1024x32xf32>
    %select_n3A_209 = arith.select %and3A_192, %concatenate3A_208, %select_n3A_103 : vector<1024x32xi1>, vector<1024x32xf32>
    %select_n3A_210 = arith.select %and3A_156, %concatenate3A_205, %select_n3A_209 : vector<1024x32xi1>, vector<1024x32xf32>
    %slice3A_211 = vector.extract_strided_slice %select_n3A_111 {offsets = [0, 1], sizes = [1024, 31], strides = [1, 1]} : vector<1024x32xf32> to vector<1024x31xf32>
    %slice3A_212 = vector.extract_strided_slice %select_n3A_111 {offsets = [0, 0], sizes = [1024, 1], strides = [1, 1]} : vector<1024x32xf32> to vector<1024x1xf32>
    %concatenate3A_213 = tpu.concatenate %slice3A_211, %slice3A_212 in 1 : vector<1024x31xf32>, vector<1024x1xf32> -> vector<1024x32xf32>
    %slice3A_214 = vector.extract_strided_slice %select_n3A_111 {offsets = [0, 0], sizes = [1024, 1], strides = [1, 1]} : vector<1024x32xf32> to vector<1024x1xf32>
    %slice3A_215 = vector.extract_strided_slice %select_n3A_111 {offsets = [0, 0], sizes = [1024, 31], strides = [1, 1]} : vector<1024x32xf32> to vector<1024x31xf32>
    %concatenate3A_216 = tpu.concatenate %slice3A_214, %slice3A_215 in 1 : vector<1024x1xf32>, vector<1024x31xf32> -> vector<1024x32xf32>
    %select_n3A_217 = arith.select %and3A_192, %concatenate3A_216, %select_n3A_111 : vector<1024x32xi1>, vector<1024x32xf32>
    %select_n3A_218 = arith.select %and3A_156, %concatenate3A_213, %select_n3A_217 : vector<1024x32xi1>, vector<1024x32xf32>
    %slice3A_219 = vector.extract_strided_slice %sqrt3A {offsets = [0, 1], sizes = [1024, 31], strides = [1, 1]} : vector<1024x32xf32> to vector<1024x31xf32>
    %slice3A_220 = vector.extract_strided_slice %sqrt3A {offsets = [0, 0], sizes = [1024, 1], strides = [1, 1]} : vector<1024x32xf32> to vector<1024x1xf32>
    %concatenate3A_221 = tpu.concatenate %slice3A_219, %slice3A_220 in 1 : vector<1024x31xf32>, vector<1024x1xf32> -> vector<1024x32xf32>
    %slice3A_222 = vector.extract_strided_slice %select_n3A_194 {offsets = [0, 1], sizes = [1024, 31], strides = [1, 1]} : vector<1024x32xi32> to vector<1024x31xi32>
    %slice3A_223 = vector.extract_strided_slice %select_n3A_194 {offsets = [0, 0], sizes = [1024, 1], strides = [1, 1]} : vector<1024x32xi32> to vector<1024x1xi32>
    %concatenate3A_224 = tpu.concatenate %slice3A_222, %slice3A_223 in 1 : vector<1024x31xi32>, vector<1024x1xi32> -> vector<1024x32xi32>
    %slice3A_225 = vector.extract_strided_slice %sqrt3A {offsets = [0, 0], sizes = [1024, 1], strides = [1, 1]} : vector<1024x32xf32> to vector<1024x1xf32>
    %slice3A_226 = vector.extract_strided_slice %sqrt3A {offsets = [0, 0], sizes = [1024, 31], strides = [1, 1]} : vector<1024x32xf32> to vector<1024x31xf32>
    %concatenate3A_227 = tpu.concatenate %slice3A_225, %slice3A_226 in 1 : vector<1024x1xf32>, vector<1024x31xf32> -> vector<1024x32xf32>
    %slice3A_228 = vector.extract_strided_slice %select_n3A_194 {offsets = [0, 0], sizes = [1024, 1], strides = [1, 1]} : vector<1024x32xi32> to vector<1024x1xi32>
    %slice3A_229 = vector.extract_strided_slice %select_n3A_194 {offsets = [0, 0], sizes = [1024, 31], strides = [1, 1]} : vector<1024x32xi32> to vector<1024x31xi32>
    %concatenate3A_230 = tpu.concatenate %slice3A_228, %slice3A_229 in 1 : vector<1024x1xi32>, vector<1024x31xi32> -> vector<1024x32xi32>
    %eq3A_231 = arith.cmpf oeq, %sqrt3A, %concatenate3A_221 : vector<1024x32xf32>
    %gt3A_232 = arith.cmpi sgt, %select_n3A_194, %concatenate3A_224 : vector<1024x32xi32>
    %and3A_233 = arith.andi %eq3A_231, %gt3A_232 : vector<1024x32xi1>
    %jit3A_234 = arith.constant 2 : i32
    %eq3A_235 = arith.constant 0 : i32
    %eq3A_236 = arith.cmpi eq, %jit3A_234, %eq3A_235 : i32
    %jit3A_237 = arith.constant 1 : i32
    %select_n3A_238 = arith.select %eq3A_236, %jit3A_237, %jit3A_234 : i32
    %rem3A_239 = vector.broadcast %select_n3A_238 : i32 to vector<1024x32xi32>
    %rem3A_240 = arith.remsi %iota3A, %rem3A_239 : vector<1024x32xi32>
    %ne3A_241 = arith.constant 0 : i32
    %ne3A_242 = vector.broadcast %ne3A_241 : i32 to vector<1024x32xi32>
    %ne3A_243 = arith.cmpi ne, %rem3A_240, %ne3A_242 : vector<1024x32xi32>
    %lt3A_244 = arith.constant 0 : i32
    %lt3A_245 = vector.broadcast %lt3A_244 : i32 to vector<1024x32xi32>
    %lt3A_246 = arith.cmpi slt, %rem3A_240, %lt3A_245 : vector<1024x32xi32>
    %lt3A_247 = arith.constant 0 : i32
    %lt3A_248 = arith.cmpi slt, %select_n3A_238, %lt3A_247 : i32
    %ne3A_249 = vector.broadcast %lt3A_248 : i1 to vector<1024x32xi1>
    %ne3A_250 = vector.broadcast %ne3A_249 : vector<1024x32xi1> to vector<1024x32xi1>
    %ne3A_251 = arith.xori %lt3A_246, %ne3A_250 : vector<1024x32xi1>
    %and3A_252 = arith.andi %ne3A_251, %ne3A_243 : vector<1024x32xi1>
    %add3A_253 = vector.broadcast %select_n3A_238 : i32 to vector<1024x32xi32>
    %add3A_254 = arith.addi %rem3A_240, %add3A_253 : vector<1024x32xi32>
    %select_n3A_255 = arith.select %and3A_252, %add3A_254, %rem3A_240 : vector<1024x32xi1>, vector<1024x32xi32>
    %eq3A_256 = arith.constant 0 : i32
    %eq3A_257 = vector.broadcast %eq3A_256 : i32 to vector<1024x32xi32>
    %eq3A_258 = arith.cmpi eq, %select_n3A_255, %eq3A_257 : vector<1024x32xi32>
    %and3A_259 = arith.andi %and3A_233, %eq3A_258 : vector<1024x32xi1>
    %lt3A_260 = arith.constant 31 : i32
    %lt3A_261 = vector.broadcast %lt3A_260 : i32 to vector<1024x32xi32>
    %lt3A_262 = arith.cmpi slt, %iota3A, %lt3A_261 : vector<1024x32xi32>
    %and3A_263 = arith.andi %and3A_259, %lt3A_262 : vector<1024x32xi1>
    %eq3A_264 = arith.cmpf oeq, %concatenate3A_227, %sqrt3A : vector<1024x32xf32>
    %gt3A_265 = arith.cmpi sgt, %concatenate3A_230, %select_n3A_194 : vector<1024x32xi32>
    %and3A_266 = arith.andi %eq3A_264, %gt3A_265 : vector<1024x32xi1>
    %add3A_267 = arith.constant 1 : i32
    %add3A_268 = vector.broadcast %add3A_267 : i32 to vector<1024x32xi32>
    %add3A_269 = arith.addi %iota3A, %add3A_268 : vector<1024x32xi32>
    %jit3A_270 = arith.constant 2 : i32
    %eq3A_271 = arith.constant 0 : i32
    %eq3A_272 = arith.cmpi eq, %jit3A_270, %eq3A_271 : i32
    %jit3A_273 = arith.constant 1 : i32
    %select_n3A_274 = arith.select %eq3A_272, %jit3A_273, %jit3A_270 : i32
    %rem3A_275 = vector.broadcast %select_n3A_274 : i32 to vector<1024x32xi32>
    %rem3A_276 = arith.remsi %add3A_269, %rem3A_275 : vector<1024x32xi32>
    %ne3A_277 = arith.constant 0 : i32
    %ne3A_278 = vector.broadcast %ne3A_277 : i32 to vector<1024x32xi32>
    %ne3A_279 = arith.cmpi ne, %rem3A_276, %ne3A_278 : vector<1024x32xi32>
    %lt3A_280 = arith.constant 0 : i32
    %lt3A_281 = vector.broadcast %lt3A_280 : i32 to vector<1024x32xi32>
    %lt3A_282 = arith.cmpi slt, %rem3A_276, %lt3A_281 : vector<1024x32xi32>
    %lt3A_283 = arith.constant 0 : i32
    %lt3A_284 = arith.cmpi slt, %select_n3A_274, %lt3A_283 : i32
    %ne3A_285 = vector.broadcast %lt3A_284 : i1 to vector<1024x32xi1>
    %ne3A_286 = vector.broadcast %ne3A_285 : vector<1024x32xi1> to vector<1024x32xi1>
    %ne3A_287 = arith.xori %lt3A_282, %ne3A_286 : vector<1024x32xi1>
    %and3A_288 = arith.andi %ne3A_287, %ne3A_279 : vector<1024x32xi1>
    %add3A_289 = vector.broadcast %select_n3A_274 : i32 to vector<1024x32xi32>
    %add3A_290 = arith.addi %rem3A_276, %add3A_289 : vector<1024x32xi32>
    %select_n3A_291 = arith.select %and3A_288, %add3A_290, %rem3A_276 : vector<1024x32xi1>, vector<1024x32xi32>
    %eq3A_292 = arith.constant 0 : i32
    %eq3A_293 = vector.broadcast %eq3A_292 : i32 to vector<1024x32xi32>
    %eq3A_294 = arith.cmpi eq, %select_n3A_291, %eq3A_293 : vector<1024x32xi32>
    %and3A_295 = arith.andi %and3A_266, %eq3A_294 : vector<1024x32xi1>
    %ge3A_296 = arith.constant 1 : i32
    %ge3A_297 = vector.broadcast %ge3A_296 : i32 to vector<1024x32xi32>
    %ge3A_298 = arith.cmpi sge, %iota3A, %ge3A_297 : vector<1024x32xi32>
    %and3A_299 = arith.andi %and3A_295, %ge3A_298 : vector<1024x32xi1>
    %select_n3A_300 = arith.select %and3A_299, %concatenate3A_230, %select_n3A_194 : vector<1024x32xi1>, vector<1024x32xi32>
    %select_n3A_301 = arith.select %and3A_263, %concatenate3A_224, %select_n3A_300 : vector<1024x32xi1>, vector<1024x32xi32>
    %slice3A_302 = vector.extract_strided_slice %select_n3A_202 {offsets = [0, 1], sizes = [1024, 31], strides = [1, 1]} : vector<1024x32xf32> to vector<1024x31xf32>
    %slice3A_303 = vector.extract_strided_slice %select_n3A_202 {offsets = [0, 0], sizes = [1024, 1], strides = [1, 1]} : vector<1024x32xf32> to vector<1024x1xf32>
    %concatenate3A_304 = tpu.concatenate %slice3A_302, %slice3A_303 in 1 : vector<1024x31xf32>, vector<1024x1xf32> -> vector<1024x32xf32>
    %slice3A_305 = vector.extract_strided_slice %select_n3A_202 {offsets = [0, 0], sizes = [1024, 1], strides = [1, 1]} : vector<1024x32xf32> to vector<1024x1xf32>
    %slice3A_306 = vector.extract_strided_slice %select_n3A_202 {offsets = [0, 0], sizes = [1024, 31], strides = [1, 1]} : vector<1024x32xf32> to vector<1024x31xf32>
    %concatenate3A_307 = tpu.concatenate %slice3A_305, %slice3A_306 in 1 : vector<1024x1xf32>, vector<1024x31xf32> -> vector<1024x32xf32>
    %select_n3A_308 = arith.select %and3A_299, %concatenate3A_307, %select_n3A_202 : vector<1024x32xi1>, vector<1024x32xf32>
    %select_n3A_309 = arith.select %and3A_263, %concatenate3A_304, %select_n3A_308 : vector<1024x32xi1>, vector<1024x32xf32>
    %slice3A_310 = vector.extract_strided_slice %select_n3A_210 {offsets = [0, 1], sizes = [1024, 31], strides = [1, 1]} : vector<1024x32xf32> to vector<1024x31xf32>
    %slice3A_311 = vector.extract_strided_slice %select_n3A_210 {offsets = [0, 0], sizes = [1024, 1], strides = [1, 1]} : vector<1024x32xf32> to vector<1024x1xf32>
    %concatenate3A_312 = tpu.concatenate %slice3A_310, %slice3A_311 in 1 : vector<1024x31xf32>, vector<1024x1xf32> -> vector<1024x32xf32>
    %slice3A_313 = vector.extract_strided_slice %select_n3A_210 {offsets = [0, 0], sizes = [1024, 1], strides = [1, 1]} : vector<1024x32xf32> to vector<1024x1xf32>
    %slice3A_314 = vector.extract_strided_slice %select_n3A_210 {offsets = [0, 0], sizes = [1024, 31], strides = [1, 1]} : vector<1024x32xf32> to vector<1024x31xf32>
    %concatenate3A_315 = tpu.concatenate %slice3A_313, %slice3A_314 in 1 : vector<1024x1xf32>, vector<1024x31xf32> -> vector<1024x32xf32>
    %select_n3A_316 = arith.select %and3A_299, %concatenate3A_315, %select_n3A_210 : vector<1024x32xi1>, vector<1024x32xf32>
    %select_n3A_317 = arith.select %and3A_263, %concatenate3A_312, %select_n3A_316 : vector<1024x32xi1>, vector<1024x32xf32>
    %slice3A_318 = vector.extract_strided_slice %select_n3A_218 {offsets = [0, 1], sizes = [1024, 31], strides = [1, 1]} : vector<1024x32xf32> to vector<1024x31xf32>
    %slice3A_319 = vector.extract_strided_slice %select_n3A_218 {offsets = [0, 0], sizes = [1024, 1], strides = [1, 1]} : vector<1024x32xf32> to vector<1024x1xf32>
    %concatenate3A_320 = tpu.concatenate %slice3A_318, %slice3A_319 in 1 : vector<1024x31xf32>, vector<1024x1xf32> -> vector<1024x32xf32>
    %slice3A_321 = vector.extract_strided_slice %select_n3A_218 {offsets = [0, 0], sizes = [1024, 1], strides = [1, 1]} : vector<1024x32xf32> to vector<1024x1xf32>
    %slice3A_322 = vector.extract_strided_slice %select_n3A_218 {offsets = [0, 0], sizes = [1024, 31], strides = [1, 1]} : vector<1024x32xf32> to vector<1024x31xf32>
    %concatenate3A_323 = tpu.concatenate %slice3A_321, %slice3A_322 in 1 : vector<1024x1xf32>, vector<1024x31xf32> -> vector<1024x32xf32>
    %select_n3A_324 = arith.select %and3A_299, %concatenate3A_323, %select_n3A_218 : vector<1024x32xi1>, vector<1024x32xf32>
    %select_n3A_325 = arith.select %and3A_263, %concatenate3A_320, %select_n3A_324 : vector<1024x32xi1>, vector<1024x32xf32>
    %slice3A_326 = vector.extract_strided_slice %sqrt3A {offsets = [0, 1], sizes = [1024, 31], strides = [1, 1]} : vector<1024x32xf32> to vector<1024x31xf32>
    %slice3A_327 = vector.extract_strided_slice %sqrt3A {offsets = [0, 0], sizes = [1024, 1], strides = [1, 1]} : vector<1024x32xf32> to vector<1024x1xf32>
    %concatenate3A_328 = tpu.concatenate %slice3A_326, %slice3A_327 in 1 : vector<1024x31xf32>, vector<1024x1xf32> -> vector<1024x32xf32>
    %slice3A_329 = vector.extract_strided_slice %select_n3A_301 {offsets = [0, 1], sizes = [1024, 31], strides = [1, 1]} : vector<1024x32xi32> to vector<1024x31xi32>
    %slice3A_330 = vector.extract_strided_slice %select_n3A_301 {offsets = [0, 0], sizes = [1024, 1], strides = [1, 1]} : vector<1024x32xi32> to vector<1024x1xi32>
    %concatenate3A_331 = tpu.concatenate %slice3A_329, %slice3A_330 in 1 : vector<1024x31xi32>, vector<1024x1xi32> -> vector<1024x32xi32>
    %slice3A_332 = vector.extract_strided_slice %sqrt3A {offsets = [0, 0], sizes = [1024, 1], strides = [1, 1]} : vector<1024x32xf32> to vector<1024x1xf32>
    %slice3A_333 = vector.extract_strided_slice %sqrt3A {offsets = [0, 0], sizes = [1024, 31], strides = [1, 1]} : vector<1024x32xf32> to vector<1024x31xf32>
    %concatenate3A_334 = tpu.concatenate %slice3A_332, %slice3A_333 in 1 : vector<1024x1xf32>, vector<1024x31xf32> -> vector<1024x32xf32>
    %slice3A_335 = vector.extract_strided_slice %select_n3A_301 {offsets = [0, 0], sizes = [1024, 1], strides = [1, 1]} : vector<1024x32xi32> to vector<1024x1xi32>
    %slice3A_336 = vector.extract_strided_slice %select_n3A_301 {offsets = [0, 0], sizes = [1024, 31], strides = [1, 1]} : vector<1024x32xi32> to vector<1024x31xi32>
    %concatenate3A_337 = tpu.concatenate %slice3A_335, %slice3A_336 in 1 : vector<1024x1xi32>, vector<1024x31xi32> -> vector<1024x32xi32>
    %eq3A_338 = arith.cmpf oeq, %sqrt3A, %concatenate3A_328 : vector<1024x32xf32>
    %gt3A_339 = arith.cmpi sgt, %select_n3A_301, %concatenate3A_331 : vector<1024x32xi32>
    %and3A_340 = arith.andi %eq3A_338, %gt3A_339 : vector<1024x32xi1>
    %jit3A_341 = arith.constant 2 : i32
    %eq3A_342 = arith.constant 0 : i32
    %eq3A_343 = arith.cmpi eq, %jit3A_341, %eq3A_342 : i32
    %jit3A_344 = arith.constant 1 : i32
    %select_n3A_345 = arith.select %eq3A_343, %jit3A_344, %jit3A_341 : i32
    %rem3A_346 = vector.broadcast %select_n3A_345 : i32 to vector<1024x32xi32>
    %rem3A_347 = arith.remsi %iota3A, %rem3A_346 : vector<1024x32xi32>
    %ne3A_348 = arith.constant 0 : i32
    %ne3A_349 = vector.broadcast %ne3A_348 : i32 to vector<1024x32xi32>
    %ne3A_350 = arith.cmpi ne, %rem3A_347, %ne3A_349 : vector<1024x32xi32>
    %lt3A_351 = arith.constant 0 : i32
    %lt3A_352 = vector.broadcast %lt3A_351 : i32 to vector<1024x32xi32>
    %lt3A_353 = arith.cmpi slt, %rem3A_347, %lt3A_352 : vector<1024x32xi32>
    %lt3A_354 = arith.constant 0 : i32
    %lt3A_355 = arith.cmpi slt, %select_n3A_345, %lt3A_354 : i32
    %ne3A_356 = vector.broadcast %lt3A_355 : i1 to vector<1024x32xi1>
    %ne3A_357 = vector.broadcast %ne3A_356 : vector<1024x32xi1> to vector<1024x32xi1>
    %ne3A_358 = arith.xori %lt3A_353, %ne3A_357 : vector<1024x32xi1>
    %and3A_359 = arith.andi %ne3A_358, %ne3A_350 : vector<1024x32xi1>
    %add3A_360 = vector.broadcast %select_n3A_345 : i32 to vector<1024x32xi32>
    %add3A_361 = arith.addi %rem3A_347, %add3A_360 : vector<1024x32xi32>
    %select_n3A_362 = arith.select %and3A_359, %add3A_361, %rem3A_347 : vector<1024x32xi1>, vector<1024x32xi32>
    %eq3A_363 = arith.constant 1 : i32
    %eq3A_364 = vector.broadcast %eq3A_363 : i32 to vector<1024x32xi32>
    %eq3A_365 = arith.cmpi eq, %select_n3A_362, %eq3A_364 : vector<1024x32xi32>
    %and3A_366 = arith.andi %and3A_340, %eq3A_365 : vector<1024x32xi1>
    %lt3A_367 = arith.constant 31 : i32
    %lt3A_368 = vector.broadcast %lt3A_367 : i32 to vector<1024x32xi32>
    %lt3A_369 = arith.cmpi slt, %iota3A, %lt3A_368 : vector<1024x32xi32>
    %and3A_370 = arith.andi %and3A_366, %lt3A_369 : vector<1024x32xi1>
    %eq3A_371 = arith.cmpf oeq, %concatenate3A_334, %sqrt3A : vector<1024x32xf32>
    %gt3A_372 = arith.cmpi sgt, %concatenate3A_337, %select_n3A_301 : vector<1024x32xi32>
    %and3A_373 = arith.andi %eq3A_371, %gt3A_372 : vector<1024x32xi1>
    %add3A_374 = arith.constant 1 : i32
    %add3A_375 = vector.broadcast %add3A_374 : i32 to vector<1024x32xi32>
    %add3A_376 = arith.addi %iota3A, %add3A_375 : vector<1024x32xi32>
    %jit3A_377 = arith.constant 2 : i32
    %eq3A_378 = arith.constant 0 : i32
    %eq3A_379 = arith.cmpi eq, %jit3A_377, %eq3A_378 : i32
    %jit3A_380 = arith.constant 1 : i32
    %select_n3A_381 = arith.select %eq3A_379, %jit3A_380, %jit3A_377 : i32
    %rem3A_382 = vector.broadcast %select_n3A_381 : i32 to vector<1024x32xi32>
    %rem3A_383 = arith.remsi %add3A_376, %rem3A_382 : vector<1024x32xi32>
    %ne3A_384 = arith.constant 0 : i32
    %ne3A_385 = vector.broadcast %ne3A_384 : i32 to vector<1024x32xi32>
    %ne3A_386 = arith.cmpi ne, %rem3A_383, %ne3A_385 : vector<1024x32xi32>
    %lt3A_387 = arith.constant 0 : i32
    %lt3A_388 = vector.broadcast %lt3A_387 : i32 to vector<1024x32xi32>
    %lt3A_389 = arith.cmpi slt, %rem3A_383, %lt3A_388 : vector<1024x32xi32>
    %lt3A_390 = arith.constant 0 : i32
    %lt3A_391 = arith.cmpi slt, %select_n3A_381, %lt3A_390 : i32
    %ne3A_392 = vector.broadcast %lt3A_391 : i1 to vector<1024x32xi1>
    %ne3A_393 = vector.broadcast %ne3A_392 : vector<1024x32xi1> to vector<1024x32xi1>
    %ne3A_394 = arith.xori %lt3A_389, %ne3A_393 : vector<1024x32xi1>
    %and3A_395 = arith.andi %ne3A_394, %ne3A_386 : vector<1024x32xi1>
    %add3A_396 = vector.broadcast %select_n3A_381 : i32 to vector<1024x32xi32>
    %add3A_397 = arith.addi %rem3A_383, %add3A_396 : vector<1024x32xi32>
    %select_n3A_398 = arith.select %and3A_395, %add3A_397, %rem3A_383 : vector<1024x32xi1>, vector<1024x32xi32>
    %eq3A_399 = arith.constant 1 : i32
    %eq3A_400 = vector.broadcast %eq3A_399 : i32 to vector<1024x32xi32>
    %eq3A_401 = arith.cmpi eq, %select_n3A_398, %eq3A_400 : vector<1024x32xi32>
    %and3A_402 = arith.andi %and3A_373, %eq3A_401 : vector<1024x32xi1>
    %ge3A_403 = arith.constant 1 : i32
    %ge3A_404 = vector.broadcast %ge3A_403 : i32 to vector<1024x32xi32>
    %ge3A_405 = arith.cmpi sge, %iota3A, %ge3A_404 : vector<1024x32xi32>
    %and3A_406 = arith.andi %and3A_402, %ge3A_405 : vector<1024x32xi1>
    %select_n3A_407 = arith.select %and3A_406, %concatenate3A_337, %select_n3A_301 : vector<1024x32xi1>, vector<1024x32xi32>
    %select_n3A_408 = arith.select %and3A_370, %concatenate3A_331, %select_n3A_407 : vector<1024x32xi1>, vector<1024x32xi32>
    %slice3A_409 = vector.extract_strided_slice %select_n3A_309 {offsets = [0, 1], sizes = [1024, 31], strides = [1, 1]} : vector<1024x32xf32> to vector<1024x31xf32>
    %slice3A_410 = vector.extract_strided_slice %select_n3A_309 {offsets = [0, 0], sizes = [1024, 1], strides = [1, 1]} : vector<1024x32xf32> to vector<1024x1xf32>
    %concatenate3A_411 = tpu.concatenate %slice3A_409, %slice3A_410 in 1 : vector<1024x31xf32>, vector<1024x1xf32> -> vector<1024x32xf32>
    %slice3A_412 = vector.extract_strided_slice %select_n3A_309 {offsets = [0, 0], sizes = [1024, 1], strides = [1, 1]} : vector<1024x32xf32> to vector<1024x1xf32>
    %slice3A_413 = vector.extract_strided_slice %select_n3A_309 {offsets = [0, 0], sizes = [1024, 31], strides = [1, 1]} : vector<1024x32xf32> to vector<1024x31xf32>
    %concatenate3A_414 = tpu.concatenate %slice3A_412, %slice3A_413 in 1 : vector<1024x1xf32>, vector<1024x31xf32> -> vector<1024x32xf32>
    %select_n3A_415 = arith.select %and3A_406, %concatenate3A_414, %select_n3A_309 : vector<1024x32xi1>, vector<1024x32xf32>
    %select_n3A_416 = arith.select %and3A_370, %concatenate3A_411, %select_n3A_415 : vector<1024x32xi1>, vector<1024x32xf32>
    %slice3A_417 = vector.extract_strided_slice %select_n3A_317 {offsets = [0, 1], sizes = [1024, 31], strides = [1, 1]} : vector<1024x32xf32> to vector<1024x31xf32>
    %slice3A_418 = vector.extract_strided_slice %select_n3A_317 {offsets = [0, 0], sizes = [1024, 1], strides = [1, 1]} : vector<1024x32xf32> to vector<1024x1xf32>
    %concatenate3A_419 = tpu.concatenate %slice3A_417, %slice3A_418 in 1 : vector<1024x31xf32>, vector<1024x1xf32> -> vector<1024x32xf32>
    %slice3A_420 = vector.extract_strided_slice %select_n3A_317 {offsets = [0, 0], sizes = [1024, 1], strides = [1, 1]} : vector<1024x32xf32> to vector<1024x1xf32>
    %slice3A_421 = vector.extract_strided_slice %select_n3A_317 {offsets = [0, 0], sizes = [1024, 31], strides = [1, 1]} : vector<1024x32xf32> to vector<1024x31xf32>
    %concatenate3A_422 = tpu.concatenate %slice3A_420, %slice3A_421 in 1 : vector<1024x1xf32>, vector<1024x31xf32> -> vector<1024x32xf32>
    %select_n3A_423 = arith.select %and3A_406, %concatenate3A_422, %select_n3A_317 : vector<1024x32xi1>, vector<1024x32xf32>
    %select_n3A_424 = arith.select %and3A_370, %concatenate3A_419, %select_n3A_423 : vector<1024x32xi1>, vector<1024x32xf32>
    %slice3A_425 = vector.extract_strided_slice %select_n3A_325 {offsets = [0, 1], sizes = [1024, 31], strides = [1, 1]} : vector<1024x32xf32> to vector<1024x31xf32>
    %slice3A_426 = vector.extract_strided_slice %select_n3A_325 {offsets = [0, 0], sizes = [1024, 1], strides = [1, 1]} : vector<1024x32xf32> to vector<1024x1xf32>
    %concatenate3A_427 = tpu.concatenate %slice3A_425, %slice3A_426 in 1 : vector<1024x31xf32>, vector<1024x1xf32> -> vector<1024x32xf32>
    %slice3A_428 = vector.extract_strided_slice %select_n3A_325 {offsets = [0, 0], sizes = [1024, 1], strides = [1, 1]} : vector<1024x32xf32> to vector<1024x1xf32>
    %slice3A_429 = vector.extract_strided_slice %select_n3A_325 {offsets = [0, 0], sizes = [1024, 31], strides = [1, 1]} : vector<1024x32xf32> to vector<1024x31xf32>
    %concatenate3A_430 = tpu.concatenate %slice3A_428, %slice3A_429 in 1 : vector<1024x1xf32>, vector<1024x31xf32> -> vector<1024x32xf32>
    %select_n3A_431 = arith.select %and3A_406, %concatenate3A_430, %select_n3A_325 : vector<1024x32xi1>, vector<1024x32xf32>
    %select_n3A_432 = arith.select %and3A_370, %concatenate3A_427, %select_n3A_431 : vector<1024x32xi1>, vector<1024x32xf32>
    %slice3A_433 = vector.extract_strided_slice %sqrt3A {offsets = [0, 11], sizes = [1024, 1], strides = [1, 1]} : vector<1024x32xf32> to vector<1024x1xf32>
    %broadcast_in_dim3A = vector.shape_cast %slice3A_433 : vector<1024x1xf32> to vector<1024x1xf32>
    %broadcast_in_dim3A_434 = vector.broadcast %broadcast_in_dim3A : vector<1024x1xf32> to vector<1024x32xf32>
    %mul3A = arith.constant 1.00000095 : f32
    %mul3A_435 = vector.broadcast %mul3A : f32 to vector<1024x32xf32>
    %mul3A_436 = arith.mulf %broadcast_in_dim3A_434, %mul3A_435 : vector<1024x32xf32>
    %le3A = arith.cmpf ole, %sqrt3A, %mul3A_436 : vector<1024x32xf32>
    %lt3A_437 = arith.constant 1.500000e+01 : f32
    %lt3A_438 = vector.broadcast %lt3A_437 : f32 to vector<1024x32xf32>
    %lt3A_439 = arith.cmpf olt, %sqrt3A, %lt3A_438 : vector<1024x32xf32>
    %and3A_440 = arith.andi %le3A, %lt3A_439 : vector<1024x32xi1>
    %swap3A = arith.constant 0 : index
    %swap3A_441 = arith.constant 0 : index
    %swap3A_442 = vector.load %arg5[%swap3A, %swap3A_441] : memref<1024x32xi32, #tpu.memory_space<vmem>>, vector<1024x32xi32>
    tpu.vector_store %arg5[%swap3A, %swap3A_441], %select_n3A_408 {strides = array<i32>} : memref<1024x32xi32, #tpu.memory_space<vmem>>, vector<1024x32xi32>,
    %jit3A_443 = arith.constant 0.000000e+00 : f32
    %broadcast_in_dim3A_444 = vector.broadcast %jit3A_443 : f32 to vector<1024x32xf32>
    %select_n3A_445 = arith.select %and3A_440, %sqrt3A, %broadcast_in_dim3A_444 : vector<1024x32xi1>, vector<1024x32xf32>
    %swap3A_446 = arith.constant 0 : index
    %swap3A_447 = arith.constant 0 : index
    %swap3A_448 = vector.load %arg6[%swap3A_446, %swap3A_447] : memref<1024x32xf32, #tpu.memory_space<vmem>>, vector<1024x32xf32>
    tpu.vector_store %arg6[%swap3A_446, %swap3A_447], %select_n3A_445 {strides = array<i32>} : memref<1024x32xf32, #tpu.memory_space<vmem>>, vector<1024x32xf32>,
    %jit3A_449 = arith.constant 0.000000e+00 : f32
    %broadcast_in_dim3A_450 = vector.broadcast %jit3A_449 : f32 to vector<1024x32xf32>
    %select_n3A_451 = arith.select %and3A_440, %select_n3A_416, %broadcast_in_dim3A_450 : vector<1024x32xi1>, vector<1024x32xf32>
    %swap3A_452 = arith.constant 0 : index
    %swap3A_453 = arith.constant 0 : index
    %swap3A_454 = vector.load %arg7[%swap3A_452, %swap3A_453] : memref<1024x32xf32, #tpu.memory_space<vmem>>, vector<1024x32xf32>
    tpu.vector_store %arg7[%swap3A_452, %swap3A_453], %select_n3A_451 {strides = array<i32>} : memref<1024x32xf32, #tpu.memory_space<vmem>>, vector<1024x32xf32>,
    %jit3A_455 = arith.constant 0.000000e+00 : f32
    %broadcast_in_dim3A_456 = vector.broadcast %jit3A_455 : f32 to vector<1024x32xf32>
    %select_n3A_457 = arith.select %and3A_440, %select_n3A_424, %broadcast_in_dim3A_456 : vector<1024x32xi1>, vector<1024x32xf32>
    %swap3A_458 = arith.constant 0 : index
    %swap3A_459 = arith.constant 0 : index
    %swap3A_460 = vector.load %arg8[%swap3A_458, %swap3A_459] : memref<1024x32xf32, #tpu.memory_space<vmem>>, vector<1024x32xf32>
    tpu.vector_store %arg8[%swap3A_458, %swap3A_459], %select_n3A_457 {strides = array<i32>} : memref<1024x32xf32, #tpu.memory_space<vmem>>, vector<1024x32xf32>,
    %jit3A_461 = arith.constant 0.000000e+00 : f32
    %broadcast_in_dim3A_462 = vector.broadcast %jit3A_461 : f32 to vector<1024x32xf32>
    %select_n3A_463 = arith.select %and3A_440, %select_n3A_432, %broadcast_in_dim3A_462 : vector<1024x32xi1>, vector<1024x32xf32>
    %swap3A_464 = arith.constant 0 : index
    %swap3A_465 = arith.constant 0 : index
    %swap3A_466 = vector.load %arg9[%swap3A_464, %swap3A_465] : memref<1024x32xf32, #tpu.memory_space<vmem>>, vector<1024x32xf32>
    tpu.vector_store %arg9[%swap3A_464, %swap3A_465], %select_n3A_463 {strides = array<i32>} : memref<1024x32xf32, #tpu.memory_space<vmem>>, vector<1024x32xf32>,
    return
  }
}

</mosaic_0001>

<sc_bundles>
// kernel: kernel.4.cloned.1.call-start
scs
__scs_entry_jumppad:
0x0: {  	(pc) =	sbr.rel $0x88, $3  }
0x1: {  	(tag) =	ssettag $0x0;
	lr =	simm.s32 $0x1  }
0x2: {  	[smem:$0x3F9F] =	sst lr;
	_ =	strace $0xD0000000  }
0x3: {  	_ = 	snop  }
0x4: {  	_ = 	snop  }
0x5: {  	_ = 	snop  }
0x6: {  	_ = 	snop  }
0x7: {  	_ = 	snop  }
__scs_overlays_trampoline_lowered:
0x8: {  	[smem:$0x3FAE] =	sst s0  }
0x9: {  	[smem:$0x3FAF] =	sst s1  }
0xa: {  	[smem:$0x3FB0] =	sst s2  }
0xb: {  	[smem:$0x3FB1] =	sst s3  }
0xc: {  	[smem:$0x3FB2] =	sst s4  }
0xd: {  	[smem:$0x3FB3] =	sst s5  }
0xe: {  	[smem:$0x3FB4] =	sst s6  }
0xf: {  	[smem:$0x3FB5] =	sst s7  }
0x10: {  	[smem:$0x3FB6] =	sst s8  }
0x11: {  	[smem:$0x3FB7] =	sst s9;
	s0 =	simm.s32 @!p0 $0x0  }
0x12: {  	s1 =	sld [smem:$0x3F9D];
	s0 =	simm.s32 @p0 $0x1  }
0x13: {  	[smem:$0x3FB8] =	sst s0;
	s0 =	simm.s32 @!p1 $0x0  }
0x14: {  	s2 =	sld [smem:$0x3F9C];
	s0 =	simm.s32 @p1 $0x1  }
0x15: {  	[smem:$0x3FB9] =	sst s0;
	s0 =	simm.s32 @!p2 $0x0  }
0x16: {  	s3 =	sld [smem:$0x3FDB];
	s0 =	simm.s32 @p2 $0x1  }
0x17: {  	s4 =	simm.s32 $0x1BF5;
	[smem:$0x3FBB] =	sst s0  }
0x18: {  	s0 =	sld [smem:$0x3F9E];
	_ =	swait.ge [sflag:s4], $0x0  }
0x19: {  	s7 =	sld [smem:$0x3F9F]  }
0x1a: {  	s8 =	sadd.s32 $0xFFFFE003, lr  }
0x1b: {  	s9 =	sadd.s32 $0xFFFFFEF7, lr;
	s5 =	simm.s32 $0xFFFFFFFF;
	p2 =	slt.u32 s8, $0xFFFFF086  }
0x1c: {  	p1 =	slt.u32 s9, $0xF7A;
	s5 =	simm.s32 @!p2 $0x0  }
0x1d: {  	s5 =	simm.s32 @p1 $0x1;
	p0 =	seq.s32 s7, s2  }
0x1e: {  	s7 =	smul.u32 @!p0 $0xF7A, s2;
	p2 =	seq.s32 @!p0 s5, $0x0  }
0x1f: {  	s9 =	smul.u32 $0xF7A, s1;
	s8 =	simm.s32 @!p0 $0x1BF5;
	p2 =	por !p2, p0  }
0x20: {  	[sflag:s8] =	ssyncset.s32 @!p0 $0xFFFFF086;
	s6 =	sadd.s32 @!p0 s3, s7;
	s7 =	simm.s32 @!p0 $0x108  }
0x21: {  	s3 =	sadd.s32 s3, s9;
	s6 =	sadd.s32 @!p0 $0x88, s6;
	s7 =	simm.s32 @p2 $0x1082  }
0x22: {  	[simem:s7], [sflag:s8] =	dma.local @!p0 [hbm:s6], $0xF7A  }
0x23: {  	s9 =	sor.u32 $0xD0000000, s2;
	s6 =	simm.s32 $0x108;
	_ =	swait.ge @!p0 [sflag:s8], $0x0  }
0x24: {  	s3 =	sadd.s32 $0x88, s3;
	s6 =	simm.s32 @!p1 $0x1082;
	[sflag:s4] =	ssyncset.s32 $0xFFFFF086  }
0x25: {  	[simem:s6], [sflag:s4] =	dma.local [hbm:s3], $0xF7A  }
0x26: {  	[smem:$0x3F9F] =	sst s1;
	(tag) =	ssettag s2;
	_ =	strace s9  }
0x27: {  	s1 =	sld [smem:$0x3FAF]  }
0x28: {  	s2 =	sld [smem:$0x3FB0]  }
0x29: {  	s4 =	sld [smem:$0x3FB2]  }
0x2a: {  	p0 =	seq.s32 s5, $0x0;
	s5 =	sld [smem:$0x3FB3]  }
0x2b: {  	s6 =	sld [smem:$0x3FB4]  }
0x2c: {  	s7 =	sld [smem:$0x3FB5]  }
0x2d: {  	s3 =	simm.s32 $0x108;
	s8 =	sld [smem:$0x3FB6]  }
0x2e: {  	s3 =	simm.s32 @!p0 $0x1082;
	s9 =	sld [smem:$0x3FB7]  }
0x2f: {  	lr =	sadd.s32 s0, s3;
	s0 =	sld [smem:$0x3FAE]  }
0x30: {  	s3 =	sld [smem:$0x3FB1]  }
0x31: {  	[smem:$0x3FBA] =	sst s10  }
0x32: {  	s10 =	sld [smem:$0x3FB8];
	_ =	sdelay $0x3  }
0x33: {  	p0 =	seq.s32 s10, $0x1;
	s10 =	sld [smem:$0x3FBA];
	_ =	sdelay $0x3  }
0x34: {  	[smem:$0x3FBA] =	sst s10  }
0x35: {  	s10 =	sld [smem:$0x3FB9];
	_ =	sdelay $0x3  }
0x36: {  	p1 =	seq.s32 s10, $0x1;
	s10 =	sld [smem:$0x3FBA];
	_ =	sdelay $0x3  }
0x37: {  	[smem:$0x3FBA] =	sst s10  }
0x38: {  	s10 =	sld [smem:$0x3FBB]  }
0x39: {  	_ = 	snop;
	(pc) =	sbr.ind lr, $3  }
0x3a: {  	_ = 	snop  }
0x3b: {  	_ = 	snop  }
0x3c: {  	p2 =	seq.s32 s10, $0x1;
	s10 =	sld [smem:$0x3FBA]  }
0x3d: {  	_ =	shalt  }
0x3e: {  	_ =	shalt  }
0x3f: {  	_ =	shalt  }
0x40: {  	_ =	shalt  }
0x41: {  	_ =	shalt  }
0x42: {  	_ =	shalt  }
0x43: {  	_ =	shalt  }
0x44: {  	_ =	shalt  }
0x45: {  	_ =	shalt  }
0x46: {  	_ =	shalt  }
0x47: {  	_ =	shalt  }
0x48: {  	_ =	shalt  }
0x49: {  	_ =	shalt  }
0x4a: {  	_ =	shalt  }
0x4b: {  	_ =	shalt  }
0x4c: {  	_ =	shalt  }
0x4d: {  	_ =	shalt  }
0x4e: {  	_ =	shalt  }
0x4f: {  	_ =	shalt  }
0x50: {  	_ =	shalt  }
0x51: {  	_ =	shalt  }
0x52: {  	_ =	shalt  }
0x53: {  	_ =	shalt  }
0x54: {  	_ =	shalt  }
0x55: {  	_ =	shalt  }
0x56: {  	_ =	shalt  }
0x57: {  	_ =	shalt  }
0x58: {  	_ =	shalt  }
0x59: {  	_ =	shalt  }
0x5a: {  	_ =	shalt  }
0x5b: {  	_ =	shalt  }
0x5c: {  	_ =	shalt  }
0x5d: {  	_ =	shalt  }
0x5e: {  	_ =	shalt  }
0x5f: {  	_ =	shalt  }
0x60: {  	_ =	shalt  }
0x61: {  	_ =	shalt  }
0x62: {  	_ =	shalt  }
0x63: {  	_ =	shalt  }
0x64: {  	_ =	shalt  }
0x65: {  	_ =	shalt  }
0x66: {  	_ =	shalt  }
0x67: {  	_ =	shalt  }
0x68: {  	_ =	shalt  }
0x69: {  	_ =	shalt  }
0x6a: {  	_ =	shalt  }
0x6b: {  	_ =	shalt  }
0x6c: {  	_ =	shalt  }
0x6d: {  	_ =	shalt  }
0x6e: {  	_ =	shalt  }
0x6f: {  	_ =	shalt  }
0x70: {  	_ =	shalt  }
0x71: {  	_ =	shalt  }
0x72: {  	_ =	shalt  }
0x73: {  	_ =	shalt  }
0x74: {  	_ =	shalt  }
0x75: {  	_ =	shalt  }
0x76: {  	_ =	shalt  }
0x77: {  	_ =	shalt  }
0x78: {  	_ =	shalt  }
0x79: {  	_ =	shalt  }
0x7a: {  	_ =	shalt  }
0x7b: {  	_ =	shalt  }
0x7c: {  	_ =	shalt  }
0x7d: {  	_ =	shalt  }
0x7e: {  	_ =	shalt  }
0x7f: {  	_ =	shalt  }
0x80: {  	_ =	shalt  }
0x81: {  	_ =	shalt  }
0x82: {  	_ =	shalt  }
0x83: {  	_ =	shalt  }
0x84: {  	_ =	shalt  }
0x85: {  	_ =	shalt  }
0x86: {  	_ =	shalt  }
0x87: {  	_ =	shalt  }
.Lfunc_end0:
.L_simem_size_0:
called_computation_lowered:
.L_overlay_start_0:
0x88: {  	s2 =	sld [smem:$0x3FD9]  }
0x89: {  	s3 =	sld [smem:$0x3FFE];
	_ =	sdelay $0x1  }
0x8a: {  	s1 =	srdreg.scid  }
0x8b: {  	s0 =	sand.u32 $0x1, s1  }
0x8c: {  	s15 =	sshll.u32 s0, $0xA;
	s2 =	sadd.s32 s3, s2  }
0x8d: {  	s2 =	sadd.s32 s2, s15  }
0x8e: {  	[smem:$0x3FC6] =	sst s2  }
0x8f: {  	_ = 	snop  }
0x90: {  	s2 =	sld [smem:$0x3FD0];
	_ =	sdelay $0x2  }
0x91: {  	s16 =	simm.s32 $0xA;
	s4 =	simm.s32 $0x10  }
0x92: {  	[smem:s4], [sflag:s16] =	dma.local [hbm:s2], $0x1  }
0x93: {  	_ =	swait.eq [sflag:s16], $0x1  }
0x94: {  	s17 =	sld [smem:$0x10]  }
0x95: {  	s18 =	sld [smem:$0x11]  }
0x96: {  	s5 =	sld [smem:$0x12];
	[sflag:s16] =	ssyncset.done $0x0  }
0x97: {  	s6 =	sld [smem:$0x13];
	[sflag:s16] =	ssyncadd.s32 $0xFFFFFFFF  }
0x98: {  	s19 =	sld [smem:$0x14];
	(tm) =	ssettm $0x1  }
0x99: {  	s7 =	sld [smem:$0x3FFB];
	_ =	sdelay $0x3  }
0x9a: {  	_ =	strace s7  }
0x9b: {  	s7 =	sld [smem:$0x3FFC];
	_ =	sdelay $0x3  }
0x9c: {  	_ =	strace s7  }
0x9d: {  	s7 =	sld [smem:$0x3FFD];
	_ =	sdelay $0x3  }
0x9e: {  	_ =	strace s7  }
0x9f: {  	_ =	strace $0x8FFFFFFF  }
0xa0: {  	s20 =	sld [smem:$0x3FDB];
	_ =	sdelay $0x1  }
0xa1: {  	s8 =	simm.s32 $_scs_section_size  }
0xa2: {  	s9 =	simm.s32 $_size__tile_overlayer_lowered;
	s10 =	simm.s32 $_tile_overlayer_lowered  }
0xa3: {  	s23 =	simm.s32 $0x1BFF;
	s22 =	sshll.u32 s10, $0x1;
	s7 =	sadd.s32 s8, s20  }
0xa4: {  	s11 =	simm.s32 $0x0;
	s21 =	sshll.u32 s9, $0x1;
	s9 =	sadd.s32 s22, s7  }
0xa5: {  	[timem:s11], [sflag:s23] =	dma.local [hbm:s9], s21  }
0xa6: {  	_ =	swait.ge [sflag:s23], s21  }
0xa7: {  	s8 =	ssub.s32 $0x0, s21;
	[sflag:s23] =	ssyncset.done $0x0  }
0xa8: {  	[sflag:s23] =	ssyncadd.s32 s8;
	_ =	sdelay $0x1  }
0xa9: {  	s24 =	simm.s32 $0x1B8B  }
0xaa: {  	_ =	swait.ge [sflag:s24], $0x1  }
0xab: {  	[sflag:s24] =	ssyncset.done $0x0  }
0xac: {  	s25 =	simm.s32 $0x1B8E;
	[sflag:s24] =	ssyncadd.s32 $0xFFFFFFFF  }
0xad: {  	s26 =	simm.s32 $execute0_lowered;
	[smem:$0x3FD2] =	sst s25  }
0xae: {  	s8 =	sshll.u32 s26, $0x1;
	_ =	strace $0x80000046;
	[dreg:$0x1] =	wrdreg $0xFFFFFFFF  }
0xaf: {  	s28 =	simm.s32 $_size_execute0_lowered;
	s7 =	sadd.s32 s7, s8;
	[dreg:$0x0] =	wrdreg $0x0  }
0xb0: {  	s8 =	sshll.u32 s28, $0x1;
	[dreg:$0x2] =	wrdreg s7  }
0xb1: {  	[dreg:$0x3] =	wrdreg s8  }
0xb2: {  	[dreg:$0x4] =	wrdreg $0xC0  }
0xb3: {  	_ =	task [dreg:s11], $0x5FFFF  }
0xb4: {  	[dreg:$0x1] =	wrdreg $0xFFFFFFFF  }
0xb5: {  	[dreg:$0x0] =	wrdreg $0x60  }
0xb6: {  	[dreg:$0x2] =	wrdreg s5  }
0xb7: {  	[dreg:$0x3] =	wrdreg s17  }
0xb8: {  	[dreg:$0x4] =	wrdreg s19  }
0xb9: {  	[dreg:$0x5] =	wrdreg s18  }
0xba: {  	[dreg:$0x6] =	wrdreg s6  }
0xbb: {  	[dreg:$0x7] =	wrdreg $0x9  }
0xbc: {  	_ =	task.clear_ibuf [dreg:s11], $0x8FFFF;
	_ =	strace $0x90000046  }
0xbd: {  	s29 =	simm.s32 $0x9;
	_ =	strace $0x80000048  }
0xbe: {  	_ =	swait.ge [sflag:s29], $0x1  }
0xbf: {  	[sflag:s29] =	ssyncadd.s32 $0xFFFFFFFF  }
0xc0: {  	_ =	strace $0x90000048  }
0xc1: {  	_ =	sfence  }
0xc2: {  	s30 =	sld [smem:$0x0];
	_ =	sdelay $0x2  }
0xc3: {  	s31 =	sshll.u32 s1, $0xD;
	s1 =	sshrl.u32 s1, $0x2  }
0xc4: {  	s3 =	sand.u32 $0x4000, s31;
	s1 =	sadd.s32 s1, s30  }
0xc5: {  	s0 =	sor.u32 s3, s0;
	s1 =	sshll.u32 s1, $0x11  }
0xc6: {  	s0 =	sor.u32 s1, s0  }
0xc7: {  	s0 =	sadd.s32 $0x8F2B, s0  }
0xc8: {  	[sflag:s0] =	ssyncadd.remote.s32 $0x1  }
0xc9: {  	_ =	sfence.sel $0xFFFF  }
0xca: {  	[dreg:$0x0] =	wrdreg $0xFFFFFFFF;
	(pc) =	sbr.abs _section_cstart, $3  }
0xcb: {  	[dreg:$0x1] =	wrdreg $0xFFFFFFFF  }
0xcc: {  	_ =	task.clear_ibuf [dreg:s11], $0x2FFFF;
	_ =	strace $0x9FFFFFFF  }
0xcd: {  	(tm) =	ssettm $0x7FFFFFFF  }
tec
execute0_lowered:
.L_overlay_start_1:
0x0: {  	(tag) =	ssettag $0x1  }
0x1: {  	s1 =	rddreg [dreg:$0x0]  }
0x2: {  	s2 =	rddreg [dreg:$0x1]  }
0x3: {  	s6 =	rddreg [dreg:$0x2]  }
0x4: {  	s7 =	rddreg [dreg:$0x3]  }
0x5: {  	s8 =	rddreg [dreg:$0x4]  }
0x6: {  	s0 =	rddreg [dreg:$0x5];
	s4 =	simm.s32 $0x0  }
0x7: {  	s5 =	srdreg.scid;
	s3 =	stileid.u32;
	s13 =	simm.s32 $0x1280  }
0x8: {  	s14 =	simm.s32 $0x1680;
	s15 =	simm.s32 $0x0;
	[smem:$0x7FF] =	sst s4  }
0x9: {  	s5 =	sand.u32 $0x1, s5;
	s9 =	sshll.u32 s3, $0x1;
	_ =	strace $0x80000047  }
.Ltmp0:
0xa: {  	s10 =	ssub.s32 $0x2, s5;
	s5 =	sor.u32 s5, s9;
	(pc) =	sbr.rel .LBB2_1-.Ltmp0, $4  }
0xb: {  	s31 =	sshrl.u32 s10, $0x1;
	s11 =	sshll.u32 s5, $0x7;
	s12 =	smul.u32 $0x180, s5  }
0xc: {  	s5 =	sshll.u32 s5, $0x5;
	s9 =	ssub.s32 s10, s31;
	s6 =	sadd.s32 s6, s11  }
0xd: {  	s7 =	sadd.s32 s7, s11;
	s10 =	simm.s32 $0x1;
	s11 =	simm.s32 $0xC00  }
0xe: {  	v0 =	vlaneseq.u32;
	s8 =	sadd.s32 s8, s12;
	s9 =	smax.u32 s9, $0x1;
	s12 =	simm.s32 $0xE80  }
.LBB2_21:
0xf: {  	[hbm4b:s6+s4] =	stream.linear.scatter [tilespmem:s12], [sflag:$0x1], $0x400, $0x38;
	[tilespmem:$0x2280] =	vst v63  }
0x10: {  	_ =	swait.ge [sflag:s10], $0x400  }
0x11: {  	[sflag:s10] =	ssyncset.done $0x0  }
0x12: {  	[sflag:s10] =	ssyncadd.s32 $0xFFFFFC00  }
0x13: {  	[hbm4b:s7+s4] =	stream.linear.scatter [tilespmem:s13], [sflag:$0x1], $0x400, $0x38;
	[tilespmem:$0x2280] =	vst v63  }
0x14: {  	s15 =	sadd.s32 $0x1, s15;
	_ =	swait.ge [sflag:s10], $0x400  }
0x15: {  	p0 =	sne.s32 s15, s9;
	[sflag:s10] =	ssyncset.done $0x0  }
.Ltmp1:
0x16: {  	[sflag:s10] =	ssyncadd.s32 $0xFFFFFC00;
	(pc) =	sbr.rel @!p0 .LBB2_22-.Ltmp1, $4  }
0x17: {  	[hbm4b:s8+s4] =	stream.linear.scatter [tilespmem:s14], [sflag:$0x1], $0xC00, $0x38;
	[tilespmem:$0x2280] =	vst v63  }
0x18: {  	_ =	swait.ge [sflag:s10], $0xC00  }
0x19: {  	[sflag:s10] =	ssyncset.done $0x0  }
0x1a: {  	[sflag:s10] =	ssyncadd.s32 $0xFFFFF400  }
.LBB2_1:
0x1b: {  	[tilespmem:s4], [sflag:$0x1] =	stream.linear.gather [hbm4b:s1+s4], $0xC00, $0x38;
	[tilespmem:$0x2280] =	vst v63  }
0x1c: {  	_ =	swait.ge [sflag:s10], $0xC00  }
0x1d: {  	[sflag:s10] =	ssyncset.done $0x0  }
0x1e: {  	[sflag:s10] =	ssyncadd.s32 $0xFFFFF400  }
0x1f: {  	[tilespmem:s11], [sflag:$0x1] =	stream.linear.gather [hbm4b:s2+s4], $0x80, $0x38;
	[tilespmem:$0x2280] =	vst v63  }
0x20: {  	_ =	swait.ge [sflag:s10], $0x80  }
0x21: {  	[sflag:s10] =	ssyncset.done $0x0  }
0x22: {  	[sflag:s10] =	ssyncadd.s32 $0xFFFFFF80  }
0x23: {  	v1 =	vld [tilespmem:$0xC00]  }
0x24: {  	v2 =	vld [tilespmem:$0xC10]  }
0x25: {  	v3 =	vld [tilespmem:$0xC20]  }
.Ltmp2:
0x26: {  	_ = 	snop;
	(pc) =	sbr.rel .LBB2_2-.Ltmp2, $3  }
0x27: {  	_ =	sdelay $0x1  }
0x28: {  	v4 =	vsub.f32 $0.0e+00, v1  }
0x29: {  	s16 =	simm.s32 $0x0;
	v5 =	vsub.f32 $0.0e+00, v2;
	v6 =	vsub.f32 $0.0e+00, v3  }
.LBB2_15:
0x2a: {  	v18 =	vmov v12;
	v17 =	vmov v11  }
.LBB2_19:
0x2b: {  	_ =	sdelay $0x4  }
0x2c: {  	v15, v19, _ =	vpop @p0 (xrf1)  }
0x2d: {  	v15 =	vperm.xlane @p0 v15, v16  }
0x2e: {  	v16 =	vperm.xlane @p0 v19, v16  }
0x2f: {  	vm0 =	vle.f32 @p0 v18, v15  }
0x30: {  	v19 =	vsel @p0 vm0, v15, v18;
	v20 =	vsel @p0 vm0, v16, v17  }
0x31: {  	(xrf1) =	vsort.ascd.msk.f32 @p0 $0xffff, v19, v20;
	_ =	sdelay $0xc  }
0x32: {  	v14 =	vadd.s32 $0xF, v14;
	v19, v20, _ =	vpop (xrf1)  }
0x33: {  	v19 =	vperm.xlane v19, v14;
	v21, v22, _ =	vpop @p0 (xrf1)  }
0x34: {  	v15 =	vsel @p0 vm0, v18, v15;
	v63 =	vperm.xlane v20, v14;
	v13 =	vpsel p0, v21, v13  }
0x35: {  	v16 =	vsel @p0 vm0, v17, v16;
	v10 =	vpsel p0, v22, v10;
	vm14 =	vle.f32 v13, v19  }
0x36: {  	(xrf1) =	vsort.ascd.msk.f32 @p0 $0xffff, v15, v16;
	v13 =	vsel vm14, v13, v19;
	v10 =	vsel vm14, v10, v63  }
0x37: {  	(xrf1) =	vsort.ascd.msk.f32 $0xffff, v13, v10;
	_ =	sdelay $0xc  }
0x38: {  	v10, v13, _ =	vpop @p0 (xrf1)  }
0x39: {  	v15, v16, _ =	vpop (xrf1)  }
0x3a: {  	v15 =	vperm.xlane v15, v14  }
0x3b: {  	v10 =	vpsel p0, v10, v12;
	v12 =	vperm.xlane v16, v14  }
0x3c: {  	v11 =	vpsel p0, v13, v11;
	vm15 =	vle.f32 v10, v15  }
0x3d: {  	v13 =	vsel vm15, v15, v10;
	v14 =	vsel vm15, v12, v11  }
0x3e: {  	v10 =	vsel vm15, v10, v15;
	v11 =	vsel vm15, v11, v12;
	(xrf1) =	vsort.ascd.msk.f32 $0xffff, v13, v14  }
0x3f: {  	(xrf1) =	vsort.ascd.msk.f32 $0xffff, v10, v11;
	_ =	sdelay $0xc  }
0x40: {  	v13, v10, _ =	vpop (xrf1)  }
0x41: {  	v12, v11, _ =	vpop (xrf1)  }
.LBB2_20:
0x42: {  	s17 =	sshll.u32 s16, $0x5  }
0x43: {  	[tilespmem:s17+$0xE80] =	vst v12  }
0x44: {  	[tilespmem:s17+$0xE90] =	vst v13  }
0x45: {  	[tilespmem:s17+$0x1280] =	vst v11  }
0x46: {  	[tilespmem:s17+$0x1290] =	vst v10  }
0x47: {  	v12 =	vld.idx.msk [tilespmem:v11+s4+$0x0], $0xffff;
	_ =	sdelay $0x4  }
0x48: {  	v36 =	vadd.f32 v12, v1  }
0x49: {  	v14 =	vsub.f32 v12, v9  }
0x4a: {  	v12 =	vsub.f32 v12, v1;
	v13 =	vsub.f32 v36, v9;
	_ =	sdelay $0x1  }
0x4b: {  	v12 =	vsub.f32 v12, v9;
	v15 =	vmul.f32 v14, v14;
	v16 =	vmul.f32 v13, v13;
	_ =	sdelay $0x1  }
0x4c: {  	v18 =	vadd.s32 $0x400, v11;
	v17 =	vmul.f32 v12, v12;
	vm0 =	vlt.f32 v16, v15  }
0x4d: {  	v15 =	vsel vm0, v16, v15  }
0x4e: {  	v13 =	vsel vm0, v13, v14;
	vm5 =	vlt.f32 v17, v15  }
0x4f: {  	v12 =	vsel vm5, v12, v13  }
0x50: {  	[tilespmem:s17+$0x1680] =	vst v12  }
0x51: {  	v12 =	vld.idx.msk [tilespmem:v18+s4+$0x0], $0xffff;
	_ =	sdelay $0x4  }
0x52: {  	v37 =	vadd.f32 v12, v2  }
0x53: {  	v38 =	vsub.f32 v12, v8  }
0x54: {  	v12 =	vsub.f32 v12, v2;
	v13 =	vsub.f32 v37, v8;
	_ =	sdelay $0x1  }
0x55: {  	v12 =	vsub.f32 v12, v8;
	v39 =	vmul.f32 v38, v38;
	v40 =	vmul.f32 v13, v13;
	_ =	sdelay $0x1  }
0x56: {  	v42 =	vadd.s32 $0x800, v11;
	v41 =	vmul.f32 v12, v12;
	vm6 =	vlt.f32 v40, v39  }
0x57: {  	v15 =	vsel vm6, v40, v39  }
0x58: {  	v13 =	vsel vm6, v13, v38;
	vm7 =	vlt.f32 v41, v15  }
0x59: {  	s18 =	sand.u32 $0x3E0, s17;
	v12 =	vsel vm7, v12, v13  }
0x5a: {  	[tilespmem:s18+$0x1A80] =	vst v12  }
0x5b: {  	v11 =	vld.idx.msk [tilespmem:v42+s4+$0x0], $0xffff;
	_ =	sdelay $0x4  }
0x5c: {  	v43 =	vadd.f32 v11, v3  }
0x5d: {  	v44 =	vsub.f32 v11, v7  }
0x5e: {  	v11 =	vsub.f32 v11, v3;
	v12 =	vsub.f32 v43, v7;
	_ =	sdelay $0x1  }
0x5f: {  	v11 =	vsub.f32 v11, v7;
	v45 =	vmul.f32 v44, v44;
	v46 =	vmul.f32 v12, v12;
	_ =	sdelay $0x1  }
0x60: {  	v47 =	vmul.f32 v11, v11;
	vm8 =	vlt.f32 v46, v45  }
0x61: {  	v14 =	vsel vm8, v46, v45  }
0x62: {  	v12 =	vsel vm8, v12, v44;
	vm9 =	vlt.f32 v47, v14  }
0x63: {  	v11 =	vsel vm9, v11, v12  }
0x64: {  	[tilespmem:s18+$0x1E80] =	vst v11  }
0x65: {  	v11 =	vld.idx.msk [tilespmem:v10+s4+$0x0], $0xffff;
	_ =	sdelay $0x4  }
0x66: {  	v48 =	vadd.f32 v11, v1  }
0x67: {  	v49 =	vsub.f32 v11, v9  }
0x68: {  	v11 =	vsub.f32 v11, v1;
	v12 =	vsub.f32 v48, v9;
	_ =	sdelay $0x1  }
0x69: {  	v50 =	vsub.f32 v11, v9;
	v51 =	vmul.f32 v49, v49;
	v52 =	vmul.f32 v12, v12;
	_ =	sdelay $0x1  }
0x6a: {  	v54 =	vadd.s32 $0x400, v10;
	v53 =	vmul.f32 v50, v50;
	vm10 =	vlt.f32 v52, v51  }
0x6b: {  	v11 =	vsel vm10, v52, v51  }
0x6c: {  	v12 =	vsel vm10, v12, v49;
	vm11 =	vlt.f32 v53, v11  }
0x6d: {  	v9 =	vsel vm11, v50, v12  }
0x6e: {  	[tilespmem:s17+$0x1690] =	vst v9  }
0x6f: {  	v9 =	vld.idx.msk [tilespmem:v54+s4+$0x0], $0xffff;
	_ =	sdelay $0x4  }
0x70: {  	v55 =	vadd.f32 v9, v2  }
0x71: {  	v56 =	vsub.f32 v9, v8  }
0x72: {  	v9 =	vsub.f32 v9, v2;
	v11 =	vsub.f32 v55, v8;
	_ =	sdelay $0x1  }
0x73: {  	v8 =	vsub.f32 v9, v8;
	v57 =	vmul.f32 v56, v56;
	v58 =	vmul.f32 v11, v11;
	_ =	sdelay $0x1  }
0x74: {  	v60 =	vadd.s32 $0x800, v10;
	v59 =	vmul.f32 v8, v8;
	vm12 =	vlt.f32 v58, v57  }
0x75: {  	v9 =	vsel vm12, v58, v57  }
0x76: {  	v11 =	vsel vm12, v11, v56;
	vm13 =	vlt.f32 v59, v9  }
0x77: {  	v8 =	vsel vm13, v8, v11  }
0x78: {  	[tilespmem:s17+$0x1A90] =	vst v8  }
0x79: {  	v8 =	vld.idx.msk [tilespmem:v60+s4+$0x0], $0xffff;
	_ =	sdelay $0x4  }
0x7a: {  	v61 =	vadd.f32 v8, v3  }
0x7b: {  	v10 =	vsub.f32 v8, v7  }
0x7c: {  	v8 =	vsub.f32 v8, v3;
	v9 =	vsub.f32 v61, v7;
	_ =	sdelay $0x1  }
0x7d: {  	s16 =	sadd.s32 $0x1, s16;
	v7 =	vsub.f32 v8, v7;
	v8 =	vmul.f32 v10, v10;
	v62 =	vmul.f32 v9, v9  }
0x7e: {  	p0 =	sne.s32 s16, $0x20  }
.Ltmp3:
0x7f: {  	v63 =	vmul.f32 v7, v7;
	vm14 =	vlt.f32 v62, v8;
	(pc) =	sbr.rel @!p0 .LBB2_21-.Ltmp3, $4  }
0x80: {  	v8 =	vsel vm14, v62, v8  }
0x81: {  	v9 =	vsel vm14, v9, v10;
	vm15 =	vlt.f32 v63, v8  }
0x82: {  	v7 =	vsel vm15, v7, v9  }
0x83: {  	[tilespmem:s17+$0x1E90] =	vst v7  }
.LBB2_2:
0x84: {  	s17 =	sadd.s32 s5, s16  }
0x85: {  	v14 =	vmov s17  }
0x86: {  	v7 =	vand.u32 $0x7FFFFFFF, v14  }
0x87: {  	v8 =	vadd.s32 $0x400, v7  }
0x88: {  	v7 =	vadd.s32 $0x800, v7  }
.Ltmp4:
0x89: {  	_ = 	snop;
	(pc) =	sbr.rel .LBB2_3-.Ltmp4, $4  }
0x8a: {  	s20 =	simm.s32 $0x0  }
0x8b: {  	v9 =	vld.idx.msk [tilespmem:v14+s20+$0x0], $0xffff  }
0x8c: {  	v13 =	vimm.f32 $3.000000010e+38;
	v8 =	vld.idx.msk [tilespmem:v8+s20+$0x0], $0xffff  }
0x8d: {  	v10 =	vimm.s32 $0x0;
	s18 =	simm.f32 $3.000000010e+38;
	v11 =	vimm.s32 $0x0;
	v12 =	vimm.f32 $3.000000010e+38;
	s17 =	simm.s32 $0x0;
	v7 =	vld.idx.msk [tilespmem:v7+s20+$0x0], $0xffff  }
.LBB2_6:
0x8e: {  	v18 =	vmov v12;
	v17 =	vmov v11  }
.LBB2_10:
0x8f: {  	_ =	sdelay $0x4  }
0x90: {  	v15, v19, _ =	vpop @p0 (xrf1)  }
0x91: {  	v15 =	vperm.xlane @p0 v15, v16  }
0x92: {  	v16 =	vperm.xlane @p0 v19, v16  }
0x93: {  	vm0 =	vle.f32 @p0 v18, v15  }
0x94: {  	v19 =	vsel @p0 vm0, v15, v18;
	v20 =	vsel @p0 vm0, v16, v17  }
0x95: {  	(xrf1) =	vsort.ascd.msk.f32 @p0 $0xffff, v19, v20;
	_ =	sdelay $0xa  }
0x96: {  	v61 =	vmul.u32 $0xFFFFFFFF, v0;
	_ =	sdelay $0x1  }
0x97: {  	v62, v21, _ =	vpop (xrf1);
	v19 =	vadd.s32 $0xF, v61  }
0x98: {  	v20 =	vperm.xlane v62, v19;
	v22, v23, _ =	vpop @p0 (xrf1)  }
0x99: {  	v15 =	vsel @p0 vm0, v18, v15;
	v63 =	vperm.xlane v21, v19;
	v13 =	vpsel p0, v22, v13  }
0x9a: {  	v16 =	vsel @p0 vm0, v17, v16;
	v10 =	vpsel p0, v23, v10;
	vm14 =	vle.f32 v13, v20  }
0x9b: {  	(xrf1) =	vsort.ascd.msk.f32 @p0 $0xffff, v15, v16;
	v13 =	vsel vm14, v13, v20;
	v10 =	vsel vm14, v10, v63  }
0x9c: {  	(xrf1) =	vsort.ascd.msk.f32 $0xffff, v13, v10;
	_ =	sdelay $0xc  }
0x9d: {  	v10, v13, _ =	vpop @p0 (xrf1)  }
0x9e: {  	v15, v16, _ =	vpop (xrf1)  }
0x9f: {  	v15 =	vperm.xlane v15, v19  }
0xa0: {  	v10 =	vpsel p0, v10, v12;
	v12 =	vperm.xlane v16, v19  }
0xa1: {  	v11 =	vpsel p0, v13, v11;
	vm15 =	vle.f32 v10, v15  }
0xa2: {  	v13 =	vsel vm15, v15, v10;
	v16 =	vsel vm15, v12, v11  }
0xa3: {  	v10 =	vsel vm15, v10, v15;
	v11 =	vsel vm15, v11, v12;
	(xrf1) =	vsort.ascd.msk.f32 $0xffff, v13, v16  }
0xa4: {  	(xrf1) =	vsort.ascd.msk.f32 $0xffff, v10, v11;
	_ =	sdelay $0xc  }
0xa5: {  	v13, v10, _ =	vpop (xrf1)  }
0xa6: {  	v12, v11, _ =	vpop (xrf1)  }
.LBB2_11:
0xa7: {  	(xrf0) =	vmax.scan.msk.f32 $0xffff, v13;
	_ =	sdelay $0x5  }
0xa8: {  	v15, _, _ =	vpop (xrf0)  }
0xa9: {  	(v2sf) =	vpush v15, $0xF;
	_ =	sdelay $0xe  }
0xaa: {  	s18 =	spop (v2sf)  }
.LBB2_12:
0xab: {  	s17 =	sadd.s32 $0x1, s17  }
0xac: {  	p1 =	sne.s32 s17, $0x8  }
.Ltmp5:
0xad: {  	_ = 	snop;
	(pc) =	sbr.rel @!p1 .LBB2_13-.Ltmp5, $3  }
0xae: {  	_ =	sdelay $0x1  }
0xaf: {  	p0 =	sgt.s32 s20, $0x2F  }
0xb0: {  	s20 =	simm.s32 @p0 $0x0  }
.LBB2_3:
0xb1: {  	s19 =	sshll.u32 s17, $0x7  }
0xb2: {  	s21 =	sand.u32 $0x3FFFFF80, s19;
	v16 =	vld [tilespmem:s19+$0x400]  }
0xb3: {  	v15 =	vld [tilespmem:s21+$0x0]  }
0xb4: {  	v17 =	vld [tilespmem:s19+$0x800];
	_ =	sdelay $0x3  }
0xb5: {  	v19 =	vsub.f32 v16, v8;
	v18 =	vsub.f32 v15, v9  }
0xb6: {  	v21 =	vsub.f32 v17, v7  }
0xb7: {  	vm14 =	vgt.f32 v19, $0.0e+00;
	vm0 =	vgt.f32 v18, $0.0e+00  }
0xb8: {  	vm15 =	vgt.f32 v21, $0.0e+00;
	v53 =	vsel vm14, v5, v2;
	v20 =	vsel vm0, v4, v1  }
0xb9: {  	v54 =	vsel vm15, v6, v3;
	v16 =	vadd.f32 v53, v16;
	v15 =	vadd.f32 v20, v15  }
0xba: {  	v17 =	vadd.f32 v54, v17  }
0xbb: {  	v16 =	vsub.f32 v16, v8;
	v15 =	vsub.f32 v15, v9  }
0xbc: {  	v19 =	vmul.f32 v19, v19;
	v18 =	vmul.f32 v18, v18  }
0xbd: {  	v17 =	vsub.f32 v17, v7;
	v16 =	vmul.f32 v16, v16;
	v15 =	vmul.f32 v15, v15  }
0xbe: {  	v55 =	vmul.f32 v21, v21  }
0xbf: {  	v17 =	vmul.f32 v17, v17;
	v16 =	vmin.f32 v19, v16;
	v15 =	vmin.f32 v18, v15  }
0xc0: {  	v15 =	vadd.f32 v16, v15  }
0xc1: {  	v56 =	vmin.f32 v55, v17  }
0xc2: {  	v15 =	vadd.f32 v56, v15  }
0xc3: {  	v57 =	vor.u32 s19, v0  }
0xc4: {  	vm1 =	veq.s32 v57, v14;
	vm4 =	vgt.f32 v15, $2.250000000e+02  }
0xc5: {  	vm0 =	vmor vm1, vm4  }
0xc6: {  	v15 =	vsel vm0, $0x44610000, v15  }
0xc7: {  	vm0 =	vlt.f32 v15, s18  }
0xc8: {  	[tilespmem:s20+$0xC80] =	vst.msk vm0, v15  }
0xc9: {  	[tilespmem:s20+$0xD80] =	vst.msk vm0, v57  }
0xca: {  	v15 =	vld [tilespmem:s21+$0x10]  }
0xcb: {  	v16 =	vld [tilespmem:s19+$0x410]  }
0xcc: {  	v58 =	vld [tilespmem:s19+$0x810];
	_ =	sdelay $0x3  }
0xcd: {  	v59 =	vmpcnt.ones.xlane vm0;
	v60 =	vsub.f32 v15, v9;
	v61 =	vsub.f32 v16, v8  }
0xce: {  	v63 =	vsub.f32 v58, v7  }
0xcf: {  	(v2sf) =	vpush v59, $0x0;
	vm5 =	vgt.f32 v60, $0.0e+00;
	vm6 =	vgt.f32 v61, $0.0e+00  }
0xd0: {  	vm7 =	vgt.f32 v63, $0.0e+00;
	v62 =	vsel vm5, v4, v1;
	v22 =	vsel vm6, v5, v2  }
0xd1: {  	v23 =	vsel vm7, v6, v3;
	v15 =	vadd.f32 v62, v15;
	v16 =	vadd.f32 v22, v16  }
0xd2: {  	v17 =	vadd.f32 v23, v58  }
0xd3: {  	v15 =	vsub.f32 v15, v9;
	v16 =	vsub.f32 v16, v8  }
0xd4: {  	v24 =	vmul.f32 v60, v60;
	v25 =	vmul.f32 v61, v61  }
0xd5: {  	v17 =	vsub.f32 v17, v7;
	v15 =	vmul.f32 v15, v15;
	v16 =	vmul.f32 v16, v16  }
0xd6: {  	v26 =	vmul.f32 v63, v63  }
0xd7: {  	v17 =	vmul.f32 v17, v17;
	v15 =	vmin.f32 v24, v15;
	v16 =	vmin.f32 v25, v16  }
0xd8: {  	v15 =	vadd.f32 v16, v15  }
0xd9: {  	v27 =	vmin.f32 v26, v17  }
0xda: {  	s22 =	sor.u32 $0x10, s19;
	v15 =	vadd.f32 v27, v15  }
0xdb: {  	v28 =	vor.u32 s22, v0  }
0xdc: {  	vm9 =	veq.s32 v28, v14;
	vm8 =	vgt.f32 v15, $2.250000000e+02  }
0xdd: {  	vm0 =	vmor vm9, vm8  }
0xde: {  	s25 =	spop (v2sf);
	v15 =	vsel vm0, $0x44610000, v15  }
0xdf: {  	s26 =	sadd.s32 s20, s25;
	vm0 =	vlt.f32 v15, s18  }
0xe0: {  	[tilespmem:s26+$0xC80] =	vst.msk vm0, v15  }
0xe1: {  	[tilespmem:s26+$0xD80] =	vst.msk vm0, v28  }
0xe2: {  	v15 =	vld [tilespmem:s21+$0x20]  }
0xe3: {  	v16 =	vld [tilespmem:s19+$0x420]  }
0xe4: {  	v29 =	vld [tilespmem:s19+$0x820];
	_ =	sdelay $0x3  }
0xe5: {  	v30 =	vmpcnt.ones.xlane vm0;
	v31 =	vsub.f32 v15, v9;
	v32 =	vsub.f32 v16, v8  }
0xe6: {  	v34 =	vsub.f32 v29, v7  }
0xe7: {  	(v2sf) =	vpush v30, $0x0;
	vm10 =	vgt.f32 v31, $0.0e+00;
	vm11 =	vgt.f32 v32, $0.0e+00  }
0xe8: {  	vm12 =	vgt.f32 v34, $0.0e+00;
	v33 =	vsel vm10, v4, v1;
	v35 =	vsel vm11, v5, v2  }
0xe9: {  	v36 =	vsel vm12, v6, v3;
	v15 =	vadd.f32 v33, v15;
	v16 =	vadd.f32 v35, v16  }
0xea: {  	v17 =	vadd.f32 v36, v29  }
0xeb: {  	v15 =	vsub.f32 v15, v9;
	v16 =	vsub.f32 v16, v8  }
0xec: {  	v37 =	vmul.f32 v31, v31;
	v38 =	vmul.f32 v32, v32  }
0xed: {  	v17 =	vsub.f32 v17, v7;
	v15 =	vmul.f32 v15, v15;
	v16 =	vmul.f32 v16, v16  }
0xee: {  	v39 =	vmul.f32 v34, v34  }
0xef: {  	v17 =	vmul.f32 v17, v17;
	v15 =	vmin.f32 v37, v15;
	v16 =	vmin.f32 v38, v16  }
0xf0: {  	v15 =	vadd.f32 v16, v15  }
0xf1: {  	v40 =	vmin.f32 v39, v17  }
0xf2: {  	s28 =	sor.u32 $0x20, s19;
	v15 =	vadd.f32 v40, v15  }
0xf3: {  	v41 =	vor.u32 s28, v0  }
0xf4: {  	vm14 =	veq.s32 v41, v14;
	vm13 =	vgt.f32 v15, $2.250000000e+02  }
0xf5: {  	vm0 =	vmor vm14, vm13  }
0xf6: {  	s29 =	spop (v2sf);
	v15 =	vsel vm0, $0x44610000, v15  }
0xf7: {  	s20 =	sadd.s32 s26, s29;
	vm0 =	vlt.f32 v15, s18  }
0xf8: {  	[tilespmem:s20+$0xC80] =	vst.msk vm0, v15  }
0xf9: {  	[tilespmem:s20+$0xD80] =	vst.msk vm0, v41  }
0xfa: {  	v15 =	vld [tilespmem:s21+$0x30]  }
0xfb: {  	v16 =	vld [tilespmem:s19+$0x430]  }
0xfc: {  	v42 =	vld [tilespmem:s19+$0x830];
	_ =	sdelay $0x3  }
0xfd: {  	v43 =	vmpcnt.ones.xlane vm0;
	v44 =	vsub.f32 v15, v9;
	v45 =	vsub.f32 v16, v8  }
0xfe: {  	v47 =	vsub.f32 v42, v7  }
0xff: {  	(v2sf) =	vpush v43, $0x0;
	vm15 =	vgt.f32 v44, $0.0e+00;
	vm4 =	vgt.f32 v45, $0.0e+00  }
0x100: {  	vm5 =	vgt.f32 v47, $0.0e+00;
	v46 =	vsel vm15, v4, v1;
	v48 =	vsel vm4, v5, v2  }
0x101: {  	v49 =	vsel vm5, v6, v3;
	v15 =	vadd.f32 v46, v15;
	v16 =	vadd.f32 v48, v16  }
0x102: {  	v17 =	vadd.f32 v49, v42  }
0x103: {  	v15 =	vsub.f32 v15, v9;
	v16 =	vsub.f32 v16, v8  }
0x104: {  	v50 =	vmul.f32 v44, v44;
	v51 =	vmul.f32 v45, v45  }
0x105: {  	v17 =	vsub.f32 v17, v7;
	v15 =	vmul.f32 v15, v15;
	v16 =	vmul.f32 v16, v16  }
0x106: {  	v52 =	vmul.f32 v47, v47  }
0x107: {  	v17 =	vmul.f32 v17, v17;
	v15 =	vmin.f32 v50, v15;
	v16 =	vmin.f32 v51, v16  }
0x108: {  	v15 =	vadd.f32 v16, v15  }
0x109: {  	v53 =	vmin.f32 v52, v17  }
0x10a: {  	s30 =	sor.u32 $0x30, s19;
	v15 =	vadd.f32 v53, v15  }
0x10b: {  	v54 =	vor.u32 s30, v0  }
0x10c: {  	vm7 =	veq.s32 v54, v14;
	vm6 =	vgt.f32 v15, $2.250000000e+02  }
0x10d: {  	vm0 =	vmor vm7, vm6  }
0x10e: {  	s31 =	spop (v2sf);
	v15 =	vsel vm0, $0x44610000, v15  }
0x10f: {  	s20 =	sadd.s32 s20, s31;
	vm0 =	vlt.f32 v15, s18  }
0x110: {  	[tilespmem:s20+$0xC80] =	vst.msk vm0, v15  }
0x111: {  	[tilespmem:s20+$0xD80] =	vst.msk vm0, v54  }
0x112: {  	v15 =	vld [tilespmem:s21+$0x40]  }
0x113: {  	v16 =	vld [tilespmem:s19+$0x440]  }
0x114: {  	v55 =	vld [tilespmem:s19+$0x840];
	_ =	sdelay $0x3  }
0x115: {  	v56 =	vmpcnt.ones.xlane vm0;
	v57 =	vsub.f32 v15, v9;
	v58 =	vsub.f32 v16, v8  }
0x116: {  	v60 =	vsub.f32 v55, v7  }
0x117: {  	(v2sf) =	vpush v56, $0x0;
	vm8 =	vgt.f32 v57, $0.0e+00;
	vm9 =	vgt.f32 v58, $0.0e+00  }
0x118: {  	vm10 =	vgt.f32 v60, $0.0e+00;
	v59 =	vsel vm8, v4, v1;
	v61 =	vsel vm9, v5, v2  }
0x119: {  	v62 =	vsel vm10, v6, v3;
	v15 =	vadd.f32 v59, v15;
	v16 =	vadd.f32 v61, v16  }
0x11a: {  	v17 =	vadd.f32 v62, v55  }
0x11b: {  	v15 =	vsub.f32 v15, v9;
	v16 =	vsub.f32 v16, v8  }
0x11c: {  	v63 =	vmul.f32 v57, v57;
	v22 =	vmul.f32 v58, v58  }
0x11d: {  	v17 =	vsub.f32 v17, v7;
	v15 =	vmul.f32 v15, v15;
	v16 =	vmul.f32 v16, v16  }
0x11e: {  	v23 =	vmul.f32 v60, v60  }
0x11f: {  	v17 =	vmul.f32 v17, v17;
	v15 =	vmin.f32 v63, v15;
	v16 =	vmin.f32 v22, v16  }
0x120: {  	v15 =	vadd.f32 v16, v15  }
0x121: {  	v24 =	vmin.f32 v23, v17  }
0x122: {  	s23 =	sor.u32 $0x40, s19;
	v15 =	vadd.f32 v24, v15  }
0x123: {  	v25 =	vor.u32 s23, v0  }
0x124: {  	vm12 =	veq.s32 v25, v14;
	vm11 =	vgt.f32 v15, $2.250000000e+02  }
0x125: {  	vm0 =	vmor vm12, vm11  }
0x126: {  	s24 =	spop (v2sf);
	v15 =	vsel vm0, $0x44610000, v15  }
0x127: {  	s20 =	sadd.s32 s20, s24;
	vm0 =	vlt.f32 v15, s18  }
0x128: {  	[tilespmem:s20+$0xC80] =	vst.msk vm0, v15  }
0x129: {  	[tilespmem:s20+$0xD80] =	vst.msk vm0, v25  }
0x12a: {  	v15 =	vld [tilespmem:s21+$0x50]  }
0x12b: {  	v16 =	vld [tilespmem:s19+$0x450]  }
0x12c: {  	v26 =	vld [tilespmem:s19+$0x850];
	_ =	sdelay $0x3  }
0x12d: {  	v27 =	vmpcnt.ones.xlane vm0;
	v28 =	vsub.f32 v15, v9;
	v29 =	vsub.f32 v16, v8  }
0x12e: {  	v31 =	vsub.f32 v26, v7  }
0x12f: {  	(v2sf) =	vpush v27, $0x0;
	vm13 =	vgt.f32 v28, $0.0e+00;
	vm14 =	vgt.f32 v29, $0.0e+00  }
0x130: {  	vm15 =	vgt.f32 v31, $0.0e+00;
	v30 =	vsel vm13, v4, v1;
	v32 =	vsel vm14, v5, v2  }
0x131: {  	v33 =	vsel vm15, v6, v3;
	v15 =	vadd.f32 v30, v15;
	v16 =	vadd.f32 v32, v16  }
0x132: {  	v17 =	vadd.f32 v33, v26  }
0x133: {  	v15 =	vsub.f32 v15, v9;
	v16 =	vsub.f32 v16, v8  }
0x134: {  	v34 =	vmul.f32 v28, v28;
	v35 =	vmul.f32 v29, v29  }
0x135: {  	v17 =	vsub.f32 v17, v7;
	v15 =	vmul.f32 v15, v15;
	v16 =	vmul.f32 v16, v16  }
0x136: {  	v36 =	vmul.f32 v31, v31  }
0x137: {  	v17 =	vmul.f32 v17, v17;
	v15 =	vmin.f32 v34, v15;
	v16 =	vmin.f32 v35, v16  }
0x138: {  	v15 =	vadd.f32 v16, v15  }
0x139: {  	v37 =	vmin.f32 v36, v17  }
0x13a: {  	s25 =	sor.u32 $0x50, s19;
	v15 =	vadd.f32 v37, v15  }
0x13b: {  	v38 =	vor.u32 s25, v0  }
0x13c: {  	vm5 =	veq.s32 v38, v14;
	vm4 =	vgt.f32 v15, $2.250000000e+02  }
0x13d: {  	vm0 =	vmor vm5, vm4  }
0x13e: {  	s26 =	spop (v2sf);
	v15 =	vsel vm0, $0x44610000, v15  }
0x13f: {  	s20 =	sadd.s32 s20, s26;
	vm0 =	vlt.f32 v15, s18  }
0x140: {  	[tilespmem:s20+$0xC80] =	vst.msk vm0, v15  }
0x141: {  	[tilespmem:s20+$0xD80] =	vst.msk vm0, v38  }
0x142: {  	v15 =	vld [tilespmem:s21+$0x60]  }
0x143: {  	v16 =	vld [tilespmem:s19+$0x460]  }
0x144: {  	v39 =	vld [tilespmem:s19+$0x860];
	_ =	sdelay $0x3  }
0x145: {  	v40 =	vmpcnt.ones.xlane vm0;
	v41 =	vsub.f32 v15, v9;
	v42 =	vsub.f32 v16, v8  }
0x146: {  	v44 =	vsub.f32 v39, v7  }
0x147: {  	(v2sf) =	vpush v40, $0x0;
	vm6 =	vgt.f32 v41, $0.0e+00;
	vm7 =	vgt.f32 v42, $0.0e+00  }
0x148: {  	vm8 =	vgt.f32 v44, $0.0e+00;
	v43 =	vsel vm6, v4, v1;
	v45 =	vsel vm7, v5, v2  }
0x149: {  	v46 =	vsel vm8, v6, v3;
	v15 =	vadd.f32 v43, v15;
	v16 =	vadd.f32 v45, v16  }
0x14a: {  	v17 =	vadd.f32 v46, v39  }
0x14b: {  	v15 =	vsub.f32 v15, v9;
	v16 =	vsub.f32 v16, v8  }
0x14c: {  	v47 =	vmul.f32 v41, v41;
	v48 =	vmul.f32 v42, v42  }
0x14d: {  	v17 =	vsub.f32 v17, v7;
	v15 =	vmul.f32 v15, v15;
	v16 =	vmul.f32 v16, v16  }
0x14e: {  	v49 =	vmul.f32 v44, v44  }
0x14f: {  	v17 =	vmul.f32 v17, v17;
	v15 =	vmin.f32 v47, v15;
	v16 =	vmin.f32 v48, v16  }
0x150: {  	v15 =	vadd.f32 v16, v15  }
0x151: {  	v50 =	vmin.f32 v49, v17  }
0x152: {  	s28 =	sor.u32 $0x60, s19;
	v15 =	vadd.f32 v50, v15  }
0x153: {  	v51 =	vor.u32 s28, v0  }
0x154: {  	vm10 =	veq.s32 v51, v14;
	vm9 =	vgt.f32 v15, $2.250000000e+02  }
0x155: {  	vm0 =	vmor vm10, vm9  }
0x156: {  	s29 =	spop (v2sf);
	v15 =	vsel vm0, $0x44610000, v15  }
0x157: {  	s20 =	sadd.s32 s20, s29;
	vm0 =	vlt.f32 v15, s18  }
0x158: {  	[tilespmem:s20+$0xC80] =	vst.msk vm0, v15  }
0x159: {  	[tilespmem:s20+$0xD80] =	vst.msk vm0, v51  }
0x15a: {  	v15 =	vld [tilespmem:s21+$0x70]  }
0x15b: {  	v16 =	vld [tilespmem:s19+$0x470]  }
0x15c: {  	v52 =	vld [tilespmem:s19+$0x870];
	_ =	sdelay $0x3  }
0x15d: {  	v53 =	vsub.f32 v15, v9;
	v54 =	vsub.f32 v16, v8  }
0x15e: {  	v56 =	vsub.f32 v52, v7  }
0x15f: {  	vm11 =	vgt.f32 v53, $0.0e+00;
	vm12 =	vgt.f32 v54, $0.0e+00  }
0x160: {  	vm13 =	vgt.f32 v56, $0.0e+00;
	v55 =	vsel vm11, v4, v1;
	v57 =	vsel vm12, v5, v2  }
0x161: {  	v58 =	vsel vm13, v6, v3;
	v15 =	vadd.f32 v55, v15;
	v16 =	vadd.f32 v57, v16  }
0x162: {  	v17 =	vadd.f32 v58, v52  }
0x163: {  	v15 =	vsub.f32 v15, v9;
	v16 =	vsub.f32 v16, v8  }
0x164: {  	v18 =	vmul.f32 v53, v53;
	v19 =	vmul.f32 v54, v54  }
0x165: {  	v17 =	vsub.f32 v17, v7;
	v15 =	vmul.f32 v15, v15;
	v16 =	vmul.f32 v16, v16  }
0x166: {  	v59 =	vmul.f32 v56, v56  }
0x167: {  	v17 =	vmul.f32 v17, v17;
	v15 =	vmin.f32 v18, v15;
	v16 =	vmin.f32 v19, v16  }
0x168: {  	v15 =	vadd.f32 v16, v15  }
0x169: {  	v60 =	vmin.f32 v59, v17  }
0x16a: {  	s19 =	sor.u32 $0x70, s19;
	v15 =	vadd.f32 v60, v15  }
0x16b: {  	v61 =	vor.u32 s19, v0  }
0x16c: {  	vm2 =	veq.s32 v61, v14;
	vm14 =	vgt.f32 v15, $2.250000000e+02  }
0x16d: {  	vm1 =	vmor vm2, vm14  }
0x16e: {  	v15 =	vsel vm1, $0x44610000, v15  }
0x16f: {  	v62 =	vmpcnt.ones.xlane vm0;
	vm15 =	vlt.f32 v15, s18  }
0x170: {  	v63 =	vmpcnt.ones.xlane vm15  }
0x171: {  	(v2sf) =	vpush v62, $0x0  }
0x172: {  	(v2sf) =	vpush v63, $0x0;
	_ =	sdelay $0xd  }
0x173: {  	s30 =	spop (v2sf)  }
0x174: {  	s19 =	sadd.s32 s20, s30;
	s31 =	spop (v2sf)  }
0x175: {  	s20 =	sadd.s32 s19, s31  }
0x176: {  	p0 =	slt.s32 s20, $0x30  }
.Ltmp6:
0x177: {  	_ = 	snop;
	(pc) =	sbr.rel @p0 .LBB2_12-.Ltmp6, $3  }
0x178: {  	_ =	sdelay $0x1  }
0x179: {  	[tilespmem:s19+$0xC80] =	vst.msk vm15, v15  }
0x17a: {  	[tilespmem:s19+$0xD80] =	vst.msk vm15, v61  }
0x17b: {  	s18 =	sadd.s32 $0xF, s20  }
0x17c: {  	s19 =	sand.u32 $0xF, s18  }
0x17d: {  	s21 =	sshra.s32 s18, $0x1F;
	p0 =	slt.s32 s18, $0x0;
	p1 =	sne.s32 s19, $0x0  }
0x17e: {  	s31 =	sshrl.u32 s21, $0x1C;
	p0 =	por !p0, !p1  }
0x17f: {  	s19 =	simm.s32 $0x1;
	s18 =	sadd.s32 s31, s18;
	p0 =	por !p0, !p0  }
0x180: {  	s18 =	sshra.s32 s18, $0x4;
	s19 =	simm.s32 @!p0 $0x0  }
0x181: {  	s18 =	ssub.s32 s18, s19  }
0x182: {  	p0 =	slt.s32 s18, $0x1  }
.Ltmp7:
0x183: {  	_ = 	snop;
	(pc) =	sbr.rel @p0 .LBB2_11-.Ltmp7, $1  }
0x184: {  	_ =	sdelay $0x3  }
0x185: {  	s19 =	simm.s32 $0xC80  }
0x186: {  	s21 =	simm.s32 $0xD80;
	v16 =	vld [tilespmem:s19+$0x0]  }
0x187: {  	p1 =	sne.s32 s18, $0x1;
	v17 =	vld [tilespmem:s21+$0x0]  }
.Ltmp8:
0x188: {  	s31 =	simm.s32 $0x0;
	(pc) =	sbr.rel @!p1 .LBB2_6-.Ltmp8, $4  }
0x189: {  	v15 =	vmov s20;
	v18 =	vor.u32 s31, v0  }
0x18a: {  	vm0 =	vlt.s32 v18, v15  }
0x18b: {  	v16 =	vnsel vm0, $0x7F61B1E6, v16  }
0x18c: {  	s22 =	sadd.s32 $0xFFFFFFFF, s18;
	p0 =	por $0x0, $0x0;
	(xrf1) =	vsort.ascd.msk.f32 $0xffff, v16, v17  }
0x18d: {  	_ =	sdelay $0xa  }
0x18e: {  	v16 =	vmul.u32 $0xFFFFFFFF, v0;
	_ =	sdelay $0x1  }
0x18f: {  	v16 =	vadd.s32 $0xF, v16;
	v17, v18, _ =	vpop (xrf1)  }
0x190: {  	v17 =	vperm.xlane v17, v16  }
0x191: {  	v18 =	vperm.xlane v18, v16  }
0x192: {  	vm0 =	vle.f32 v13, v17  }
0x193: {  	s18 =	simm.s32 $0xC90;
	v17 =	vsel vm0, v13, v17;
	v18 =	vsel vm0, v10, v18  }
0x194: {  	v19 =	vld [tilespmem:s18+$0x0];
	(xrf1) =	vsort.ascd.msk.f32 $0xffff, v17, v18  }
0x195: {  	s19 =	simm.s32 $0xD90  }
0x196: {  	s21 =	simm.s32 $0x10;
	v20 =	vld [tilespmem:s19+$0x0]  }
0x197: {  	p1 =	sne.s32 s22, $0x1;
	v21 =	vor.u32 s21, v0  }
.Ltmp9:
0x198: {  	vm15 =	vlt.s32 v21, v15;
	(pc) =	sbr.rel @!p1 .LBB2_8-.Ltmp9, $3  }
0x199: {  	v17 =	vnsel vm15, $0x7F61B1E6, v19;
	_ =	sdelay $0x1  }
0x19a: {  	(xrf1) =	vsort.ascd.msk.f32 $0xffff, v17, v20  }
0x19b: {  	s22 =	sadd.s32 $0xFFFFFFFF, s22;
	p0 =	por $0x1, $0x1;
	v18 =	vmov v12;
	v17 =	vmov v11  }
.LBB2_9:
0x19c: {  	p1 =	sne.s32 s22, $0x1;
	s22 =	sadd.s32 $0xFFFFFFFF, s22;
	_ =	sdelay $0x8  }
0x19d: {  	v19, v20, _ =	vpop (xrf1)  }
0x19e: {  	v19 =	vperm.xlane v19, v16  }
0x19f: {  	v20 =	vperm.xlane v20, v16  }
0x1a0: {  	v21, v22, _ =	vpop (xrf1);
	vm0 =	vle.f32 v18, v19  }
0x1a1: {  	v21 =	vperm.xlane v21, v16;
	v23 =	vsel vm0, v19, v18;
	v24 =	vsel vm0, v20, v17  }
0x1a2: {  	v18 =	vsel vm0, v18, v19;
	v17 =	vsel vm0, v17, v20;
	(xrf1) =	vsort.ascd.msk.f32 $0xffff, v23, v24  }
0x1a3: {  	(xrf1) =	vsort.ascd.msk.f32 $0xffff, v18, v17;
	_ =	sdelay $0xb  }
0x1a4: {  	s18 =	sadd.s32 $0x10, s18  }
0x1a5: {  	s19 =	sadd.s32 $0x10, s19;
	v20 =	vperm.xlane v22, v16;
	v19 =	vld [tilespmem:s18+$0x0];
	v22, v23, _ =	vpop (xrf1)  }
0x1a6: {  	v24 =	vld [tilespmem:s19+$0x0];
	vm0 =	vle.f32 v22, v21;
	v18, v17, _ =	vpop (xrf1)  }
.Ltmp10:
0x1a7: {  	s21 =	sadd.s32 $0x10, s21;
	v21 =	vsel vm0, v22, v21;
	v20 =	vsel vm0, v23, v20;
	(pc) =	sbr.rel @p1 .LBB2_9-.Ltmp10, $4  }
0x1a8: {  	v22 =	vor.u32 s21, v0;
	(xrf1) =	vsort.ascd.msk.f32 $0xffff, v21, v20  }
0x1a9: {  	vm0 =	vlt.s32 v22, v15  }
0x1aa: {  	v19 =	vnsel vm0, $0x7F61B1E6, v19  }
0x1ab: {  	(xrf1) =	vsort.ascd.msk.f32 $0xffff, v19, v24  }
.Ltmp11:
0x1ac: {  	_ = 	snop;
	(pc) =	sbr.rel .LBB2_10-.Ltmp11, $1  }
0x1ad: {  	_ =	sdelay $0x3  }
.LBB2_8:
.Ltmp12:
0x1ae: {  	(pc) =	sbr.rel .LBB2_10-.Ltmp12, $2  }
0x1af: {  	_ =	sdelay $0x2  }
0x1b0: {  	v18 =	vmov v12;
	v17 =	vmov v11  }
.LBB2_13:
0x1b1: {  	s17 =	sadd.s32 $0xF, s20  }
0x1b2: {  	s18 =	sand.u32 $0xF, s17  }
0x1b3: {  	p0 =	slt.s32 s20, $0xFFFFFFF2;
	s19 =	sshra.s32 s17, $0x1F;
	p1 =	sne.s32 s18, $0x0  }
0x1b4: {  	s31 =	sshrl.u32 s19, $0x1C;
	p0 =	por !p0, !p1  }
0x1b5: {  	s18 =	simm.s32 $0x1;
	s17 =	sadd.s32 s31, s17;
	p0 =	por !p0, !p0  }
0x1b6: {  	s17 =	sshra.s32 s17, $0x4;
	s18 =	simm.s32 @!p0 $0x0  }
0x1b7: {  	s17 =	ssub.s32 s17, s18  }
0x1b8: {  	p0 =	slt.s32 s17, $0x1  }
.Ltmp13:
0x1b9: {  	_ = 	snop;
	(pc) =	sbr.rel @p0 .LBB2_20-.Ltmp13, $1  }
0x1ba: {  	_ =	sdelay $0x3  }
0x1bb: {  	s18 =	simm.s32 $0xC80  }
0x1bc: {  	s19 =	simm.s32 $0xD80;
	v14 =	vld [tilespmem:s18+$0x0]  }
0x1bd: {  	p1 =	sne.s32 s17, $0x1;
	v16 =	vld [tilespmem:s19+$0x0]  }
.Ltmp14:
0x1be: {  	s31 =	simm.s32 $0x0;
	(pc) =	sbr.rel @!p1 .LBB2_15-.Ltmp14, $4  }
0x1bf: {  	v15 =	vmov s20;
	v17 =	vor.u32 s31, v0  }
0x1c0: {  	vm0 =	vlt.s32 v17, v15  }
0x1c1: {  	v14 =	vnsel vm0, $0x7F61B1E6, v14  }
0x1c2: {  	s20 =	sadd.s32 $0xFFFFFFFF, s17;
	p0 =	por $0x0, $0x0;
	(xrf1) =	vsort.ascd.msk.f32 $0xffff, v14, v16;
	v14 =	vmul.u32 $0xFFFFFFFF, v0  }
0x1c3: {  	_ =	sdelay $0xc  }
0x1c4: {  	v16 =	vadd.s32 $0xF, v14;
	v17, v18, _ =	vpop (xrf1)  }
0x1c5: {  	v17 =	vperm.xlane v17, v16  }
0x1c6: {  	v18 =	vperm.xlane v18, v16  }
0x1c7: {  	vm0 =	vle.f32 v13, v17  }
0x1c8: {  	s17 =	simm.s32 $0xC90;
	v17 =	vsel vm0, v13, v17;
	v18 =	vsel vm0, v10, v18  }
0x1c9: {  	v19 =	vld [tilespmem:s17+$0x0];
	(xrf1) =	vsort.ascd.msk.f32 $0xffff, v17, v18  }
0x1ca: {  	s18 =	simm.s32 $0xD90  }
0x1cb: {  	s19 =	simm.s32 $0x10;
	v20 =	vld [tilespmem:s18+$0x0]  }
0x1cc: {  	p1 =	sne.s32 s20, $0x1;
	v21 =	vor.u32 s19, v0  }
.Ltmp15:
0x1cd: {  	vm15 =	vlt.s32 v21, v15;
	(pc) =	sbr.rel @!p1 .LBB2_17-.Ltmp15, $3  }
0x1ce: {  	v17 =	vnsel vm15, $0x7F61B1E6, v19;
	_ =	sdelay $0x1  }
0x1cf: {  	(xrf1) =	vsort.ascd.msk.f32 $0xffff, v17, v20  }
0x1d0: {  	s20 =	sadd.s32 $0xFFFFFFFF, s20;
	p0 =	por $0x1, $0x1;
	v18 =	vmov v12;
	v17 =	vmov v11  }
.LBB2_18:
0x1d1: {  	p1 =	sne.s32 s20, $0x1;
	s20 =	sadd.s32 $0xFFFFFFFF, s20;
	_ =	sdelay $0x8  }
0x1d2: {  	v19, v20, _ =	vpop (xrf1)  }
0x1d3: {  	v19 =	vperm.xlane v19, v16  }
0x1d4: {  	v20 =	vperm.xlane v20, v16  }
0x1d5: {  	v21, v22, _ =	vpop (xrf1);
	vm0 =	vle.f32 v18, v19  }
0x1d6: {  	v21 =	vperm.xlane v21, v16;
	v23 =	vsel vm0, v19, v18;
	v24 =	vsel vm0, v20, v17  }
0x1d7: {  	v18 =	vsel vm0, v18, v19;
	v17 =	vsel vm0, v17, v20;
	(xrf1) =	vsort.ascd.msk.f32 $0xffff, v23, v24  }
0x1d8: {  	(xrf1) =	vsort.ascd.msk.f32 $0xffff, v18, v17;
	_ =	sdelay $0xb  }
0x1d9: {  	s17 =	sadd.s32 $0x10, s17  }
0x1da: {  	s18 =	sadd.s32 $0x10, s18;
	v20 =	vperm.xlane v22, v16;
	v19 =	vld [tilespmem:s17+$0x0];
	v22, v23, _ =	vpop (xrf1)  }
0x1db: {  	v24 =	vld [tilespmem:s18+$0x0];
	vm0 =	vle.f32 v22, v21;
	v18, v17, _ =	vpop (xrf1)  }
.Ltmp16:
0x1dc: {  	s19 =	sadd.s32 $0x10, s19;
	v21 =	vsel vm0, v22, v21;
	v20 =	vsel vm0, v23, v20;
	(pc) =	sbr.rel @p1 .LBB2_18-.Ltmp16, $4  }
0x1dd: {  	v22 =	vor.u32 s19, v0;
	(xrf1) =	vsort.ascd.msk.f32 $0xffff, v21, v20  }
0x1de: {  	vm0 =	vlt.s32 v22, v15  }
0x1df: {  	v19 =	vnsel vm0, $0x7F61B1E6, v19  }
0x1e0: {  	(xrf1) =	vsort.ascd.msk.f32 $0xffff, v19, v24  }
.Ltmp17:
0x1e1: {  	_ = 	snop;
	(pc) =	sbr.rel .LBB2_19-.Ltmp17, $1  }
0x1e2: {  	_ =	sdelay $0x3  }
.LBB2_17:
.Ltmp18:
0x1e3: {  	(pc) =	sbr.rel .LBB2_19-.Ltmp18, $2  }
0x1e4: {  	_ =	sdelay $0x2  }
0x1e5: {  	v18 =	vmov v12;
	v17 =	vmov v11  }
.LBB2_22:
0x1e6: {  	_ =	sfence.sel $0x180000  }
0x1e7: {  	[bflag:$0x0] =	sbarrier.arrive $0xFFFF  }
0x1e8: {  	p0 =	sne.s32 s3, $0x0;
	_ =	strace $0x90000047  }
0x1e9: {  	s0 =	sadd.s32 @!p0 $0x100000, s0;
	[bflag:$0x2] =	sbarrier.arrive $0xFFFF  }
0x1ea: {  	[sflag:s0] =	ssyncadd.tile.s32 @!p0 $0x1;
	_ =	shalt  }
.Lfunc_end2:
_tile_overlayer_lowered:
.L_overlay_start_2:
0x1eb: {  	(tag) =	ssettag $0x2  }
0x1ec: {  	s0 =	rddreg [dreg:$0x0];
	s2 =	stileid.u32  }
0x1ed: {  	s1 =	rddreg [dreg:$0x1];
	p0 =	sne.s32 s2, $0x0  }
0x1ee: {  	s3 =	rddreg [dreg:$0x2];
	[bflag:$0x3] =	sbarrier.arrive $0xFFFF;
	s2 =	simm.s32 @!p0 $0x1C01  }
0x1ef: {  	[timem:s3], [sflag:s2] =	dma.local @!p0 [hbm:s0], s1  }
0x1f0: {  	s0 =	simm.s32 @!p0 $0x1  }
0x1f1: {  	_ =	swait.ge @!p0 [sflag:s0], s1  }
0x1f2: {  	s1 =	ssub.s32 @!p0 $0x0, s1;
	[sflag:s0] =	ssyncset.done @!p0 $0x0  }
0x1f3: {  	[sflag:s0] =	ssyncadd.s32 @!p0 s1  }
0x1f4: {  	[bflag:$0x3] =	sbarrier.arrive $0xFFFF  }
0x1f5: {  	_ =	shalt  }

</sc_bundles>
